<compile_context>
chip_gen: v7x
topology: tpu7x:2x2x1
jax: 0.10.2.dev20260603
libtpu: 0.0.44.dev20260713+nightly
codegen_flags: <defaults>
</compile_context>

<pallas_src>
import functools

import jax
import jax.numpy as jnp
from jax import lax
from jax.experimental import pallas as pl
from jax.experimental.pallas import tpu as pltpu
from jax.experimental.pallas import tpu_sc as plsc

VOCAB = 1000000
EMB = 64
HID = 64
B = 1024
T = 200

_NC = 2
_NS = 16
_NW = _NC * _NS
_N = B * T
_CH = 800


def _sc_gather_body(n_rows, table_hbm, idx_hbm, out_hbm, idx_v, rows_v, sem):
    per_w = n_rows // _NW
    n_ch = per_w // _CH
    wid = lax.axis_index("s") * _NC + lax.axis_index("c")
    base = wid * per_w
    pltpu.sync_copy(idx_hbm.at[pl.ds(base, per_w)], idx_v)

    def chunk(c, carry):
        cb = base + c * _CH

        def grp(g, carry2):
            v = idx_v[pl.ds(c * _CH + g * 16, 16)]
            for k in range(16):
                tok = v[k]
                pltpu.async_copy(table_hbm.at[pl.ds(tok, 1)],
                                 rows_v.at[pl.ds(g * 16 + k, 1)], sem)
            return carry2

        lax.fori_loop(0, _CH // 16, grp, 0)
        pltpu.make_async_copy(table_hbm.at[pl.ds(0, _CH)], rows_v, sem).wait()
        pltpu.sync_copy(rows_v, out_hbm.at[pl.ds(cb, _CH)])
        return carry

    lax.fori_loop(0, n_ch, chunk, 0)


@functools.lru_cache(maxsize=4)
def _sc_gather(n_rows):
    return pl.kernel(
        functools.partial(_sc_gather_body, n_rows),
        out_type=jax.ShapeDtypeStruct((n_rows, EMB), jnp.float32),
        mesh=plsc.VectorSubcoreMesh(core_axis_name="c", subcore_axis_name="s"),
        scratch_types=[
            pltpu.VMEM((n_rows // _NW,), jnp.int32),
            pltpu.VMEM((_CH, EMB), jnp.float32),
            pltpu.SemaphoreType.DMA,
        ],
        compiler_params=pltpu.CompilerParams(use_tc_tiling_on_sc=True),
    )


def _lstm_body(t_chunk, emb_ref, idx_ref, h0_ref, c0_ref, Wc_ref, b_ref,
               W1_ref, b1_ref, W2_ref, b2_ref, out_ref, ho_ref, co_ref,
               h_ref, c_ref):
    t = pl.program_id(0)

    @pl.when(t == 0)
    def _init():
        h_ref[...] = h0_ref[...]
        c_ref[...] = c0_ref[...]

    x = emb_ref[0].astype(jnp.bfloat16)
    idxv = idx_ref[0]
    h = h_ref[...]
    c = c_ref[...]
    xh = jnp.concatenate([x, h.astype(jnp.bfloat16)], axis=1)
    z = jnp.dot(xh, Wc_ref[...],
                preferred_element_type=jnp.float32) + b_ref[...]
    i = jax.nn.sigmoid(z[:, :HID])
    f = jax.nn.sigmoid(z[:, HID:2 * HID])
    g = jnp.tanh(z[:, 2 * HID:3 * HID])
    o = jax.nn.sigmoid(z[:, 3 * HID:])
    c_new = f * c + i * g
    h_new = o * jnp.tanh(c_new)
    m = idxv != 0
    h_ref[...] = jnp.where(m, h_new, h)
    c_ref[...] = jnp.where(m, c_new, c)

    @pl.when(t == t_chunk - 1)
    def _head():
        ho_ref[...] = h_ref[...]
        co_ref[...] = c_ref[...]
        d = jax.nn.relu(jnp.dot(h_ref[...], W1_ref[...],
                                preferred_element_type=jnp.float32)
                        + b1_ref[...])
        out_ref[...] = jax.nn.sigmoid(
            jnp.dot(d, W2_ref[...], preferred_element_type=jnp.float32)
            + b2_ref[...])


def _lstm_call(emb, idx3, h0, c0, Wc, b2d, W1, b1_2d, W2, b2_2d,
               interpret=False):
    t_chunk = emb.shape[0]
    full = lambda t: (0, 0)
    return pl.pallas_call(
        functools.partial(_lstm_body, t_chunk),
        grid=(t_chunk,),
        in_specs=[
            pl.BlockSpec((1, B, EMB), lambda t: (t, 0, 0)),
            pl.BlockSpec((1, B, 1), lambda t: (t, 0, 0)),
            pl.BlockSpec((B, HID), full),
            pl.BlockSpec((B, HID), full),
            pl.BlockSpec((EMB + HID, 4 * HID), full),
            pl.BlockSpec((1, 4 * HID), full),
            pl.BlockSpec((HID, 64), full),
            pl.BlockSpec((1, 64), full),
            pl.BlockSpec((64, 1), full),
            pl.BlockSpec((1, 1), full),
        ],
        out_specs=[
            pl.BlockSpec((B, 1), full),
            pl.BlockSpec((B, HID), full),
            pl.BlockSpec((B, HID), full),
        ],
        out_shape=[
            jax.ShapeDtypeStruct((B, 1), jnp.float32),
            jax.ShapeDtypeStruct((B, HID), jnp.float32),
            jax.ShapeDtypeStruct((B, HID), jnp.float32),
        ],
        scratch_shapes=[
            pltpu.VMEM((B, HID), jnp.float32),
            pltpu.VMEM((B, HID), jnp.float32),
        ],
        compiler_params=pltpu.CompilerParams(
            dimension_semantics=("arbitrary",)),
        interpret=interpret,
    )(emb, idx3, h0, c0, Wc, b2d, W1, b1_2d, W2, b2_2d)


_NSPLIT = 2
_TC = T // _NSPLIT


def kernel(indices, table, W_i, W_h, b, W1, b1, W2, b2):
    idx_t = jnp.transpose(indices.astype(jnp.int32), (1, 0))
    idx3 = idx_t.reshape(T, B, 1)
    Wc = jnp.concatenate([W_i, W_h], axis=0).astype(jnp.bfloat16)
    b2d, b1_2d, b2_2d = b.reshape(1, -1), b1.reshape(1, -1), b2.reshape(1, -1)

    h = jnp.zeros((B, HID), jnp.float32)
    c = jnp.zeros((B, HID), jnp.float32)
    out = None
    embs = []
    for k in range(_NSPLIT):
        flat_idx = idx_t[k * _TC:(k + 1) * _TC].reshape(_TC * B)
        emb_flat = _sc_gather(_TC * B)(table, flat_idx)
        embs.append(emb_flat.reshape(_TC, B, EMB))
    for k in range(_NSPLIT):
        out, h, c = _lstm_call(embs[k], idx3[k * _TC:(k + 1) * _TC], h, c,
                               Wc, b2d, W1, b1_2d, W2, b2_2d)
    return out

# --- scband reference (transcript-rebuilt; emitter-appended) ---
"""Pipeline reference for scband-fake-news-detection-net-79439715107403 (READ-ONLY COPY).

The authoritative reference and input builder live on the scoring server;
editing this copy changes nothing except your own understanding.
"""

import jax, jax.numpy as jnp
import numpy as np

VOCAB = 1000000
EMB = 64
HID = 64
B = 1024
T = 200


def setup_inputs(seed: int = 0) -> dict:
    key = jax.random.key(seed)
    ks = jax.random.split(key, 10)
    indices = jax.random.randint(ks[0], (B, T), 0, VOCAB)
    # frozen pretrained embedding table (e.g. fasttext-style)
    table = jax.random.normal(ks[1], (VOCAB, EMB), dtype=jnp.float32) * 0.02
    # LSTM weights (keras layout: kernel [EMB,4H], recurrent [H,4H], bias [4H])
    W_i = jax.random.normal(ks[2], (EMB, 4 * HID), dtype=jnp.float32) * 0.05
    W_h = jax.random.normal(ks[3], (HID, 4 * HID), dtype=jnp.float32) * 0.05
    b = jnp.zeros((4 * HID,), dtype=jnp.float32)
    # dense 64 relu
    W1 = jax.random.normal(ks[4], (HID, 64), dtype=jnp.float32) * 0.05
    b1 = jnp.zeros((64,), dtype=jnp.float32)
    # final dense 1 sigmoid
    W2 = jax.random.normal(ks[5], (64, 1), dtype=jnp.float32) * 0.05
    b2 = jnp.zeros((1,), dtype=jnp.float32)
    return {"indices": indices, "table": table, "W_i": W_i, "W_h": W_h, "b": b,
            "W1": W1, "b1": b1, "W2": W2, "b2": b2}


def reference(indices, table, W_i, W_h, b, W1, b1, W2, b2):
    # Embedding lookup with mask_zero=True semantics
    emb = jnp.take(table, indices, axis=0)            # [B, T, EMB]
    mask = (indices != 0)                             # [B, T]

    xs = jnp.transpose(emb, (1, 0, 2))                # [T, B, EMB]
    ms = jnp.transpose(mask, (1, 0))                  # [T, B]

    bsz = indices.shape[0]
    h0 = jnp.zeros((bsz, HID), dtype=emb.dtype)
    c0 = jnp.zeros((bsz, HID), dtype=emb.dtype)

    def step(carry, inp):
        h, c = carry
        x_t, m_t = inp
        z = x_t @ W_i + h @ W_h + b                   # [B, 4H]
        i, f, g, o = jnp.split(z, 4, axis=-1)
        i = jax.nn.sigmoid(i)
        f = jax.nn.sigmoid(f)
        g = jnp.tanh(g)
        o = jax.nn.sigmoid(o)
        c_new = f * c + i * g
        h_new = o * jnp.tanh(c_new)
        m = m_t[:, None]
        # masked timesteps are skipped: state carried through unchanged
        h = jnp.where(m, h_new, h)
        c = jnp.where(m, c_new, c)
        return (h, c), None

    (h_last, _), _ = jax.lax.scan(step, (h0, c0), (xs, ms))

    d = jax.nn.relu(h_last @ W1 + b1)                 # [B, 64]
    out = jax.nn.sigmoid(d @ W2 + b2)                 # [B, 1]
    return out

if __name__ == "__main__":
    import jax
    _d = setup_inputs()
    print(jax.jit(kernel)(*tuple(_d.values())))

</pallas_src>

<mosaic_0001>
#map = affine_map<(d0, d1) -> (0, 0)>
#map1 = affine_map<(d0, d1) -> (0)>
module attributes {stable_mosaic.version = 14 : i64} {
  func.func @_sc_gather_body(%arg0: i32, %arg1: i32, %arg2: memref<1000000x64xf32, #tpu.memory_space<hbm>>, %arg3: memref<102400xi32, #tpu.memory_space<hbm>>, %arg4: memref<102400x64xf32, #tpu.memory_space<hbm>>, %arg5: memref<3200xi32, #tpu.memory_space<vmem>>, %arg6: memref<800x64xf32, #tpu.memory_space<vmem>>, %arg7: memref<!tpu.dma_semaphore, #tpu.memory_space<semaphore_mem>>) attributes {dimension_semantics = [#tpu.dimension_semantics<core_parallel>, #tpu.dimension_semantics<subcore_parallel>], iteration_bounds = array<i64: 2, 16>, scalar_prefetch = 0 : i64, scratch_operands = 3 : i64, tpu.core_type = #tpu.core_type<sc_vector_subcore>, window_params = [{transform_indices = #map}, {transform_indices = #map1}, {transform_indices = #map}]} {
    %mul3A = arith.constant 2 : i32
    %mul3A_0 = arith.muli %arg1, %mul3A : i32
    %add3A = arith.addi %mul3A_0, %arg0 : i32
    %mul3A_1 = arith.constant 3200 : i32
    %mul3A_2 = arith.muli %add3A, %mul3A_1 : i32
    "tpu.region"() ({
      %run_scoped3A = tpu.sem_alloc : memref<!tpu.dma_semaphore, #tpu.memory_space<semaphore_mem>>
      %dma_start3A = tpu.memref_slice %arg3[%mul3A_2] : memref<102400xi32, #tpu.memory_space<hbm>> -> memref<3200xi32, #tpu.memory_space<hbm>>
      %dma_start3A_8 = tpu.memref_slice %arg3[%mul3A_2] : memref<102400xi32, #tpu.memory_space<hbm>> -> memref<3200xi32, #tpu.memory_space<hbm>>
      tpu.enqueue_dma source(%dma_start3A_8 : memref<3200xi32, #tpu.memory_space<hbm>>) target(%arg5 : memref<3200xi32, #tpu.memory_space<vmem>>) target_semaphore(%run_scoped3A : memref<!tpu.dma_semaphore, #tpu.memory_space<semaphore_mem>>)
      %dma_wait3A = tpu.memref_slice %arg3[%mul3A_2] : memref<102400xi32, #tpu.memory_space<hbm>> -> memref<3200xi32, #tpu.memory_space<hbm>>
      %dma_wait3A_9 = tpu.memref_slice %arg3[%mul3A_2] : memref<102400xi32, #tpu.memory_space<hbm>> -> memref<3200xi32, #tpu.memory_space<hbm>>
      tpu.wait_dma2 semaphore(%run_scoped3A : memref<!tpu.dma_semaphore, #tpu.memory_space<semaphore_mem>>) src(%dma_wait3A_9 : memref<3200xi32, #tpu.memory_space<hbm>>) dst(%arg5 : memref<3200xi32, #tpu.memory_space<vmem>>)
      tpu.yield
    }) : () -> ()
    %scan3A = arith.constant 0 : i32
    %scan3A_3 = arith.constant 0 : i32
    %scan3A_4 = arith.constant 4 : i32
    %scan3A_5 = arith.addi %scan3A_3, %scan3A_4 : i32
    %scan3A_6 = arith.constant 1 : i32
    scf.for %scan3A_8 = %scan3A_3 to %scan3A_5 step %scan3A_6  : i32 {
      %mul3A_9 = arith.constant 800 : i32
      %mul3A_10 = arith.muli %scan3A_8, %mul3A_9 : i32
      %add3A_11 = arith.addi %mul3A_2, %mul3A_10 : i32
      %scan3A_12 = arith.constant 0 : i32
      %scan3A_13 = arith.constant 0 : i32
      %scan3A_14 = arith.constant 50 : i32
      %scan3A_15 = arith.addi %scan3A_13, %scan3A_14 : i32
      %scan3A_16 = arith.constant 1 : i32
      scf.for %scan3A_23 = %scan3A_13 to %scan3A_15 step %scan3A_16  : i32 {
        %mul3A_24 = arith.constant 800 : i32
        %mul3A_25 = arith.muli %scan3A_8, %mul3A_24 : i32
        %mul3A_26 = arith.constant 16 : i32
        %mul3A_27 = arith.muli %scan3A_23, %mul3A_26 : i32
        %add3A_28 = arith.addi %mul3A_25, %mul3A_27 : i32
        %get3A = arith.index_cast %add3A_28 : i32 to index
        %get3A_29 = tpu.vector_load %arg5[%get3A] {strides = array<i32>} : memref<3200xi32, #tpu.memory_space<vmem>>, vector<16xi32>,
        %get3A_30 = vector.shape_cast %get3A_29 : vector<16xi32> to vector<16xi32>
        %slice3A = vector.extract_strided_slice %get3A_30 {offsets = [0], sizes = [1], strides = [1]} : vector<16xi32> to vector<1xi32>
        %squeeze3A = vector.extract %slice3A[0] : i32 from vector<1xi32>
        %mul3A_31 = arith.constant 16 : i32
        %mul3A_32 = arith.muli %scan3A_23, %mul3A_31 : i32
        %add3A_33 = arith.constant 0 : i32
        %add3A_34 = arith.addi %mul3A_32, %add3A_33 : i32
        %dma_start3A = arith.constant 0 : i32
        %dma_start3A_35 = tpu.memref_slice %arg6[%add3A_34, %dma_start3A] : memref<800x64xf32, #tpu.memory_space<vmem>> -> memref<1x64xf32, #tpu.memory_space<vmem>>
        %dma_start3A_36 = arith.constant 0 : i32
        %dma_start3A_37 = tpu.memref_slice %arg2[%squeeze3A, %dma_start3A_36] : memref<1000000x64xf32, #tpu.memory_space<hbm>> -> memref<1x64xf32, #tpu.memory_space<hbm>>
        %dma_start3A_38 = arith.constant 0 : i32
        %dma_start3A_39 = tpu.memref_slice %arg6[%add3A_34, %dma_start3A_38] : memref<800x64xf32, #tpu.memory_space<vmem>> -> memref<1x64xf32, #tpu.memory_space<vmem>>
        %dma_start3A_40 = arith.constant 0 : i32
        %dma_start3A_41 = tpu.memref_slice %arg2[%squeeze3A, %dma_start3A_40] : memref<1000000x64xf32, #tpu.memory_space<hbm>> -> memref<1x64xf32, #tpu.memory_space<hbm>>
        tpu.enqueue_dma source(%dma_start3A_41 : memref<1x64xf32, #tpu.memory_space<hbm>>) target(%dma_start3A_39 : memref<1x64xf32, #tpu.memory_space<vmem>>) target_semaphore(%arg7 : memref<!tpu.dma_semaphore, #tpu.memory_space<semaphore_mem>>)
        %slice3A_42 = vector.extract_strided_slice %get3A_30 {offsets = [1], sizes = [1], strides = [1]} : vector<16xi32> to vector<1xi32>
        %squeeze3A_43 = vector.extract %slice3A_42[0] : i32 from vector<1xi32>
        %mul3A_44 = arith.constant 16 : i32
        %mul3A_45 = arith.muli %scan3A_23, %mul3A_44 : i32
        %add3A_46 = arith.constant 1 : i32
        %add3A_47 = arith.addi %mul3A_45, %add3A_46 : i32
        %dma_start3A_48 = arith.constant 0 : i32
        %dma_start3A_49 = tpu.memref_slice %arg6[%add3A_47, %dma_start3A_48] : memref<800x64xf32, #tpu.memory_space<vmem>> -> memref<1x64xf32, #tpu.memory_space<vmem>>
        %dma_start3A_50 = arith.constant 0 : i32
        %dma_start3A_51 = tpu.memref_slice %arg2[%squeeze3A_43, %dma_start3A_50] : memref<1000000x64xf32, #tpu.memory_space<hbm>> -> memref<1x64xf32, #tpu.memory_space<hbm>>
        %dma_start3A_52 = arith.constant 0 : i32
        %dma_start3A_53 = tpu.memref_slice %arg6[%add3A_47, %dma_start3A_52] : memref<800x64xf32, #tpu.memory_space<vmem>> -> memref<1x64xf32, #tpu.memory_space<vmem>>
        %dma_start3A_54 = arith.constant 0 : i32
        %dma_start3A_55 = tpu.memref_slice %arg2[%squeeze3A_43, %dma_start3A_54] : memref<1000000x64xf32, #tpu.memory_space<hbm>> -> memref<1x64xf32, #tpu.memory_space<hbm>>
        tpu.enqueue_dma source(%dma_start3A_55 : memref<1x64xf32, #tpu.memory_space<hbm>>) target(%dma_start3A_53 : memref<1x64xf32, #tpu.memory_space<vmem>>) target_semaphore(%arg7 : memref<!tpu.dma_semaphore, #tpu.memory_space<semaphore_mem>>)
        %slice3A_56 = vector.extract_strided_slice %get3A_30 {offsets = [2], sizes = [1], strides = [1]} : vector<16xi32> to vector<1xi32>
        %squeeze3A_57 = vector.extract %slice3A_56[0] : i32 from vector<1xi32>
        %mul3A_58 = arith.constant 16 : i32
        %mul3A_59 = arith.muli %scan3A_23, %mul3A_58 : i32
        %add3A_60 = arith.constant 2 : i32
        %add3A_61 = arith.addi %mul3A_59, %add3A_60 : i32
        %dma_start3A_62 = arith.constant 0 : i32
        %dma_start3A_63 = tpu.memref_slice %arg6[%add3A_61, %dma_start3A_62] : memref<800x64xf32, #tpu.memory_space<vmem>> -> memref<1x64xf32, #tpu.memory_space<vmem>>
        %dma_start3A_64 = arith.constant 0 : i32
        %dma_start3A_65 = tpu.memref_slice %arg2[%squeeze3A_57, %dma_start3A_64] : memref<1000000x64xf32, #tpu.memory_space<hbm>> -> memref<1x64xf32, #tpu.memory_space<hbm>>
        %dma_start3A_66 = arith.constant 0 : i32
        %dma_start3A_67 = tpu.memref_slice %arg6[%add3A_61, %dma_start3A_66] : memref<800x64xf32, #tpu.memory_space<vmem>> -> memref<1x64xf32, #tpu.memory_space<vmem>>
        %dma_start3A_68 = arith.constant 0 : i32
        %dma_start3A_69 = tpu.memref_slice %arg2[%squeeze3A_57, %dma_start3A_68] : memref<1000000x64xf32, #tpu.memory_space<hbm>> -> memref<1x64xf32, #tpu.memory_space<hbm>>
        tpu.enqueue_dma source(%dma_start3A_69 : memref<1x64xf32, #tpu.memory_space<hbm>>) target(%dma_start3A_67 : memref<1x64xf32, #tpu.memory_space<vmem>>) target_semaphore(%arg7 : memref<!tpu.dma_semaphore, #tpu.memory_space<semaphore_mem>>)
        %slice3A_70 = vector.extract_strided_slice %get3A_30 {offsets = [3], sizes = [1], strides = [1]} : vector<16xi32> to vector<1xi32>
        %squeeze3A_71 = vector.extract %slice3A_70[0] : i32 from vector<1xi32>
        %mul3A_72 = arith.constant 16 : i32
        %mul3A_73 = arith.muli %scan3A_23, %mul3A_72 : i32
        %add3A_74 = arith.constant 3 : i32
        %add3A_75 = arith.addi %mul3A_73, %add3A_74 : i32
        %dma_start3A_76 = arith.constant 0 : i32
        %dma_start3A_77 = tpu.memref_slice %arg6[%add3A_75, %dma_start3A_76] : memref<800x64xf32, #tpu.memory_space<vmem>> -> memref<1x64xf32, #tpu.memory_space<vmem>>
        %dma_start3A_78 = arith.constant 0 : i32
        %dma_start3A_79 = tpu.memref_slice %arg2[%squeeze3A_71, %dma_start3A_78] : memref<1000000x64xf32, #tpu.memory_space<hbm>> -> memref<1x64xf32, #tpu.memory_space<hbm>>
        %dma_start3A_80 = arith.constant 0 : i32
        %dma_start3A_81 = tpu.memref_slice %arg6[%add3A_75, %dma_start3A_80] : memref<800x64xf32, #tpu.memory_space<vmem>> -> memref<1x64xf32, #tpu.memory_space<vmem>>
        %dma_start3A_82 = arith.constant 0 : i32
        %dma_start3A_83 = tpu.memref_slice %arg2[%squeeze3A_71, %dma_start3A_82] : memref<1000000x64xf32, #tpu.memory_space<hbm>> -> memref<1x64xf32, #tpu.memory_space<hbm>>
        tpu.enqueue_dma source(%dma_start3A_83 : memref<1x64xf32, #tpu.memory_space<hbm>>) target(%dma_start3A_81 : memref<1x64xf32, #tpu.memory_space<vmem>>) target_semaphore(%arg7 : memref<!tpu.dma_semaphore, #tpu.memory_space<semaphore_mem>>)
        %slice3A_84 = vector.extract_strided_slice %get3A_30 {offsets = [4], sizes = [1], strides = [1]} : vector<16xi32> to vector<1xi32>
        %squeeze3A_85 = vector.extract %slice3A_84[0] : i32 from vector<1xi32>
        %mul3A_86 = arith.constant 16 : i32
        %mul3A_87 = arith.muli %scan3A_23, %mul3A_86 : i32
        %add3A_88 = arith.constant 4 : i32
        %add3A_89 = arith.addi %mul3A_87, %add3A_88 : i32
        %dma_start3A_90 = arith.constant 0 : i32
        %dma_start3A_91 = tpu.memref_slice %arg6[%add3A_89, %dma_start3A_90] : memref<800x64xf32, #tpu.memory_space<vmem>> -> memref<1x64xf32, #tpu.memory_space<vmem>>
        %dma_start3A_92 = arith.constant 0 : i32
        %dma_start3A_93 = tpu.memref_slice %arg2[%squeeze3A_85, %dma_start3A_92] : memref<1000000x64xf32, #tpu.memory_space<hbm>> -> memref<1x64xf32, #tpu.memory_space<hbm>>
        %dma_start3A_94 = arith.constant 0 : i32
        %dma_start3A_95 = tpu.memref_slice %arg6[%add3A_89, %dma_start3A_94] : memref<800x64xf32, #tpu.memory_space<vmem>> -> memref<1x64xf32, #tpu.memory_space<vmem>>
        %dma_start3A_96 = arith.constant 0 : i32
        %dma_start3A_97 = tpu.memref_slice %arg2[%squeeze3A_85, %dma_start3A_96] : memref<1000000x64xf32, #tpu.memory_space<hbm>> -> memref<1x64xf32, #tpu.memory_space<hbm>>
        tpu.enqueue_dma source(%dma_start3A_97 : memref<1x64xf32, #tpu.memory_space<hbm>>) target(%dma_start3A_95 : memref<1x64xf32, #tpu.memory_space<vmem>>) target_semaphore(%arg7 : memref<!tpu.dma_semaphore, #tpu.memory_space<semaphore_mem>>)
        %slice3A_98 = vector.extract_strided_slice %get3A_30 {offsets = [5], sizes = [1], strides = [1]} : vector<16xi32> to vector<1xi32>
        %squeeze3A_99 = vector.extract %slice3A_98[0] : i32 from vector<1xi32>
        %mul3A_100 = arith.constant 16 : i32
        %mul3A_101 = arith.muli %scan3A_23, %mul3A_100 : i32
        %add3A_102 = arith.constant 5 : i32
        %add3A_103 = arith.addi %mul3A_101, %add3A_102 : i32
        %dma_start3A_104 = arith.constant 0 : i32
        %dma_start3A_105 = tpu.memref_slice %arg6[%add3A_103, %dma_start3A_104] : memref<800x64xf32, #tpu.memory_space<vmem>> -> memref<1x64xf32, #tpu.memory_space<vmem>>
        %dma_start3A_106 = arith.constant 0 : i32
        %dma_start3A_107 = tpu.memref_slice %arg2[%squeeze3A_99, %dma_start3A_106] : memref<1000000x64xf32, #tpu.memory_space<hbm>> -> memref<1x64xf32, #tpu.memory_space<hbm>>
        %dma_start3A_108 = arith.constant 0 : i32
        %dma_start3A_109 = tpu.memref_slice %arg6[%add3A_103, %dma_start3A_108] : memref<800x64xf32, #tpu.memory_space<vmem>> -> memref<1x64xf32, #tpu.memory_space<vmem>>
        %dma_start3A_110 = arith.constant 0 : i32
        %dma_start3A_111 = tpu.memref_slice %arg2[%squeeze3A_99, %dma_start3A_110] : memref<1000000x64xf32, #tpu.memory_space<hbm>> -> memref<1x64xf32, #tpu.memory_space<hbm>>
        tpu.enqueue_dma source(%dma_start3A_111 : memref<1x64xf32, #tpu.memory_space<hbm>>) target(%dma_start3A_109 : memref<1x64xf32, #tpu.memory_space<vmem>>) target_semaphore(%arg7 : memref<!tpu.dma_semaphore, #tpu.memory_space<semaphore_mem>>)
        %slice3A_112 = vector.extract_strided_slice %get3A_30 {offsets = [6], sizes = [1], strides = [1]} : vector<16xi32> to vector<1xi32>
        %squeeze3A_113 = vector.extract %slice3A_112[0] : i32 from vector<1xi32>
        %mul3A_114 = arith.constant 16 : i32
        %mul3A_115 = arith.muli %scan3A_23, %mul3A_114 : i32
        %add3A_116 = arith.constant 6 : i32
        %add3A_117 = arith.addi %mul3A_115, %add3A_116 : i32
        %dma_start3A_118 = arith.constant 0 : i32
        %dma_start3A_119 = tpu.memref_slice %arg6[%add3A_117, %dma_start3A_118] : memref<800x64xf32, #tpu.memory_space<vmem>> -> memref<1x64xf32, #tpu.memory_space<vmem>>
        %dma_start3A_120 = arith.constant 0 : i32
        %dma_start3A_121 = tpu.memref_slice %arg2[%squeeze3A_113, %dma_start3A_120] : memref<1000000x64xf32, #tpu.memory_space<hbm>> -> memref<1x64xf32, #tpu.memory_space<hbm>>
        %dma_start3A_122 = arith.constant 0 : i32
        %dma_start3A_123 = tpu.memref_slice %arg6[%add3A_117, %dma_start3A_122] : memref<800x64xf32, #tpu.memory_space<vmem>> -> memref<1x64xf32, #tpu.memory_space<vmem>>
        %dma_start3A_124 = arith.constant 0 : i32
        %dma_start3A_125 = tpu.memref_slice %arg2[%squeeze3A_113, %dma_start3A_124] : memref<1000000x64xf32, #tpu.memory_space<hbm>> -> memref<1x64xf32, #tpu.memory_space<hbm>>
        tpu.enqueue_dma source(%dma_start3A_125 : memref<1x64xf32, #tpu.memory_space<hbm>>) target(%dma_start3A_123 : memref<1x64xf32, #tpu.memory_space<vmem>>) target_semaphore(%arg7 : memref<!tpu.dma_semaphore, #tpu.memory_space<semaphore_mem>>)
        %slice3A_126 = vector.extract_strided_slice %get3A_30 {offsets = [7], sizes = [1], strides = [1]} : vector<16xi32> to vector<1xi32>
        %squeeze3A_127 = vector.extract %slice3A_126[0] : i32 from vector<1xi32>
        %mul3A_128 = arith.constant 16 : i32
        %mul3A_129 = arith.muli %scan3A_23, %mul3A_128 : i32
        %add3A_130 = arith.constant 7 : i32
        %add3A_131 = arith.addi %mul3A_129, %add3A_130 : i32
        %dma_start3A_132 = arith.constant 0 : i32
        %dma_start3A_133 = tpu.memref_slice %arg6[%add3A_131, %dma_start3A_132] : memref<800x64xf32, #tpu.memory_space<vmem>> -> memref<1x64xf32, #tpu.memory_space<vmem>>
        %dma_start3A_134 = arith.constant 0 : i32
        %dma_start3A_135 = tpu.memref_slice %arg2[%squeeze3A_127, %dma_start3A_134] : memref<1000000x64xf32, #tpu.memory_space<hbm>> -> memref<1x64xf32, #tpu.memory_space<hbm>>
        %dma_start3A_136 = arith.constant 0 : i32
        %dma_start3A_137 = tpu.memref_slice %arg6[%add3A_131, %dma_start3A_136] : memref<800x64xf32, #tpu.memory_space<vmem>> -> memref<1x64xf32, #tpu.memory_space<vmem>>
        %dma_start3A_138 = arith.constant 0 : i32
        %dma_start3A_139 = tpu.memref_slice %arg2[%squeeze3A_127, %dma_start3A_138] : memref<1000000x64xf32, #tpu.memory_space<hbm>> -> memref<1x64xf32, #tpu.memory_space<hbm>>
        tpu.enqueue_dma source(%dma_start3A_139 : memref<1x64xf32, #tpu.memory_space<hbm>>) target(%dma_start3A_137 : memref<1x64xf32, #tpu.memory_space<vmem>>) target_semaphore(%arg7 : memref<!tpu.dma_semaphore, #tpu.memory_space<semaphore_mem>>)
        %slice3A_140 = vector.extract_strided_slice %get3A_30 {offsets = [8], sizes = [1], strides = [1]} : vector<16xi32> to vector<1xi32>
        %squeeze3A_141 = vector.extract %slice3A_140[0] : i32 from vector<1xi32>
        %mul3A_142 = arith.constant 16 : i32
        %mul3A_143 = arith.muli %scan3A_23, %mul3A_142 : i32
        %add3A_144 = arith.constant 8 : i32
        %add3A_145 = arith.addi %mul3A_143, %add3A_144 : i32
        %dma_start3A_146 = arith.constant 0 : i32
        %dma_start3A_147 = tpu.memref_slice %arg6[%add3A_145, %dma_start3A_146] : memref<800x64xf32, #tpu.memory_space<vmem>> -> memref<1x64xf32, #tpu.memory_space<vmem>>
        %dma_start3A_148 = arith.constant 0 : i32
        %dma_start3A_149 = tpu.memref_slice %arg2[%squeeze3A_141, %dma_start3A_148] : memref<1000000x64xf32, #tpu.memory_space<hbm>> -> memref<1x64xf32, #tpu.memory_space<hbm>>
        %dma_start3A_150 = arith.constant 0 : i32
        %dma_start3A_151 = tpu.memref_slice %arg6[%add3A_145, %dma_start3A_150] : memref<800x64xf32, #tpu.memory_space<vmem>> -> memref<1x64xf32, #tpu.memory_space<vmem>>
        %dma_start3A_152 = arith.constant 0 : i32
        %dma_start3A_153 = tpu.memref_slice %arg2[%squeeze3A_141, %dma_start3A_152] : memref<1000000x64xf32, #tpu.memory_space<hbm>> -> memref<1x64xf32, #tpu.memory_space<hbm>>
        tpu.enqueue_dma source(%dma_start3A_153 : memref<1x64xf32, #tpu.memory_space<hbm>>) target(%dma_start3A_151 : memref<1x64xf32, #tpu.memory_space<vmem>>) target_semaphore(%arg7 : memref<!tpu.dma_semaphore, #tpu.memory_space<semaphore_mem>>)
        %slice3A_154 = vector.extract_strided_slice %get3A_30 {offsets = [9], sizes = [1], strides = [1]} : vector<16xi32> to vector<1xi32>
        %squeeze3A_155 = vector.extract %slice3A_154[0] : i32 from vector<1xi32>
        %mul3A_156 = arith.constant 16 : i32
        %mul3A_157 = arith.muli %scan3A_23, %mul3A_156 : i32
        %add3A_158 = arith.constant 9 : i32
        %add3A_159 = arith.addi %mul3A_157, %add3A_158 : i32
        %dma_start3A_160 = arith.constant 0 : i32
        %dma_start3A_161 = tpu.memref_slice %arg6[%add3A_159, %dma_start3A_160] : memref<800x64xf32, #tpu.memory_space<vmem>> -> memref<1x64xf32, #tpu.memory_space<vmem>>
        %dma_start3A_162 = arith.constant 0 : i32
        %dma_start3A_163 = tpu.memref_slice %arg2[%squeeze3A_155, %dma_start3A_162] : memref<1000000x64xf32, #tpu.memory_space<hbm>> -> memref<1x64xf32, #tpu.memory_space<hbm>>
        %dma_start3A_164 = arith.constant 0 : i32
        %dma_start3A_165 = tpu.memref_slice %arg6[%add3A_159, %dma_start3A_164] : memref<800x64xf32, #tpu.memory_space<vmem>> -> memref<1x64xf32, #tpu.memory_space<vmem>>
        %dma_start3A_166 = arith.constant 0 : i32
        %dma_start3A_167 = tpu.memref_slice %arg2[%squeeze3A_155, %dma_start3A_166] : memref<1000000x64xf32, #tpu.memory_space<hbm>> -> memref<1x64xf32, #tpu.memory_space<hbm>>
        tpu.enqueue_dma source(%dma_start3A_167 : memref<1x64xf32, #tpu.memory_space<hbm>>) target(%dma_start3A_165 : memref<1x64xf32, #tpu.memory_space<vmem>>) target_semaphore(%arg7 : memref<!tpu.dma_semaphore, #tpu.memory_space<semaphore_mem>>)
        %slice3A_168 = vector.extract_strided_slice %get3A_30 {offsets = [10], sizes = [1], strides = [1]} : vector<16xi32> to vector<1xi32>
        %squeeze3A_169 = vector.extract %slice3A_168[0] : i32 from vector<1xi32>
        %mul3A_170 = arith.constant 16 : i32
        %mul3A_171 = arith.muli %scan3A_23, %mul3A_170 : i32
        %add3A_172 = arith.constant 10 : i32
        %add3A_173 = arith.addi %mul3A_171, %add3A_172 : i32
        %dma_start3A_174 = arith.constant 0 : i32
        %dma_start3A_175 = tpu.memref_slice %arg6[%add3A_173, %dma_start3A_174] : memref<800x64xf32, #tpu.memory_space<vmem>> -> memref<1x64xf32, #tpu.memory_space<vmem>>
        %dma_start3A_176 = arith.constant 0 : i32
        %dma_start3A_177 = tpu.memref_slice %arg2[%squeeze3A_169, %dma_start3A_176] : memref<1000000x64xf32, #tpu.memory_space<hbm>> -> memref<1x64xf32, #tpu.memory_space<hbm>>
        %dma_start3A_178 = arith.constant 0 : i32
        %dma_start3A_179 = tpu.memref_slice %arg6[%add3A_173, %dma_start3A_178] : memref<800x64xf32, #tpu.memory_space<vmem>> -> memref<1x64xf32, #tpu.memory_space<vmem>>
        %dma_start3A_180 = arith.constant 0 : i32
        %dma_start3A_181 = tpu.memref_slice %arg2[%squeeze3A_169, %dma_start3A_180] : memref<1000000x64xf32, #tpu.memory_space<hbm>> -> memref<1x64xf32, #tpu.memory_space<hbm>>
        tpu.enqueue_dma source(%dma_start3A_181 : memref<1x64xf32, #tpu.memory_space<hbm>>) target(%dma_start3A_179 : memref<1x64xf32, #tpu.memory_space<vmem>>) target_semaphore(%arg7 : memref<!tpu.dma_semaphore, #tpu.memory_space<semaphore_mem>>)
        %slice3A_182 = vector.extract_strided_slice %get3A_30 {offsets = [11], sizes = [1], strides = [1]} : vector<16xi32> to vector<1xi32>
        %squeeze3A_183 = vector.extract %slice3A_182[0] : i32 from vector<1xi32>
        %mul3A_184 = arith.constant 16 : i32
        %mul3A_185 = arith.muli %scan3A_23, %mul3A_184 : i32
        %add3A_186 = arith.constant 11 : i32
        %add3A_187 = arith.addi %mul3A_185, %add3A_186 : i32
        %dma_start3A_188 = arith.constant 0 : i32
        %dma_start3A_189 = tpu.memref_slice %arg6[%add3A_187, %dma_start3A_188] : memref<800x64xf32, #tpu.memory_space<vmem>> -> memref<1x64xf32, #tpu.memory_space<vmem>>
        %dma_start3A_190 = arith.constant 0 : i32
        %dma_start3A_191 = tpu.memref_slice %arg2[%squeeze3A_183, %dma_start3A_190] : memref<1000000x64xf32, #tpu.memory_space<hbm>> -> memref<1x64xf32, #tpu.memory_space<hbm>>
        %dma_start3A_192 = arith.constant 0 : i32
        %dma_start3A_193 = tpu.memref_slice %arg6[%add3A_187, %dma_start3A_192] : memref<800x64xf32, #tpu.memory_space<vmem>> -> memref<1x64xf32, #tpu.memory_space<vmem>>
        %dma_start3A_194 = arith.constant 0 : i32
        %dma_start3A_195 = tpu.memref_slice %arg2[%squeeze3A_183, %dma_start3A_194] : memref<1000000x64xf32, #tpu.memory_space<hbm>> -> memref<1x64xf32, #tpu.memory_space<hbm>>
        tpu.enqueue_dma source(%dma_start3A_195 : memref<1x64xf32, #tpu.memory_space<hbm>>) target(%dma_start3A_193 : memref<1x64xf32, #tpu.memory_space<vmem>>) target_semaphore(%arg7 : memref<!tpu.dma_semaphore, #tpu.memory_space<semaphore_mem>>)
        %slice3A_196 = vector.extract_strided_slice %get3A_30 {offsets = [12], sizes = [1], strides = [1]} : vector<16xi32> to vector<1xi32>
        %squeeze3A_197 = vector.extract %slice3A_196[0] : i32 from vector<1xi32>
        %mul3A_198 = arith.constant 16 : i32
        %mul3A_199 = arith.muli %scan3A_23, %mul3A_198 : i32
        %add3A_200 = arith.constant 12 : i32
        %add3A_201 = arith.addi %mul3A_199, %add3A_200 : i32
        %dma_start3A_202 = arith.constant 0 : i32
        %dma_start3A_203 = tpu.memref_slice %arg6[%add3A_201, %dma_start3A_202] : memref<800x64xf32, #tpu.memory_space<vmem>> -> memref<1x64xf32, #tpu.memory_space<vmem>>
        %dma_start3A_204 = arith.constant 0 : i32
        %dma_start3A_205 = tpu.memref_slice %arg2[%squeeze3A_197, %dma_start3A_204] : memref<1000000x64xf32, #tpu.memory_space<hbm>> -> memref<1x64xf32, #tpu.memory_space<hbm>>
        %dma_start3A_206 = arith.constant 0 : i32
        %dma_start3A_207 = tpu.memref_slice %arg6[%add3A_201, %dma_start3A_206] : memref<800x64xf32, #tpu.memory_space<vmem>> -> memref<1x64xf32, #tpu.memory_space<vmem>>
        %dma_start3A_208 = arith.constant 0 : i32
        %dma_start3A_209 = tpu.memref_slice %arg2[%squeeze3A_197, %dma_start3A_208] : memref<1000000x64xf32, #tpu.memory_space<hbm>> -> memref<1x64xf32, #tpu.memory_space<hbm>>
        tpu.enqueue_dma source(%dma_start3A_209 : memref<1x64xf32, #tpu.memory_space<hbm>>) target(%dma_start3A_207 : memref<1x64xf32, #tpu.memory_space<vmem>>) target_semaphore(%arg7 : memref<!tpu.dma_semaphore, #tpu.memory_space<semaphore_mem>>)
        %slice3A_210 = vector.extract_strided_slice %get3A_30 {offsets = [13], sizes = [1], strides = [1]} : vector<16xi32> to vector<1xi32>
        %squeeze3A_211 = vector.extract %slice3A_210[0] : i32 from vector<1xi32>
        %mul3A_212 = arith.constant 16 : i32
        %mul3A_213 = arith.muli %scan3A_23, %mul3A_212 : i32
        %add3A_214 = arith.constant 13 : i32
        %add3A_215 = arith.addi %mul3A_213, %add3A_214 : i32
        %dma_start3A_216 = arith.constant 0 : i32
        %dma_start3A_217 = tpu.memref_slice %arg6[%add3A_215, %dma_start3A_216] : memref<800x64xf32, #tpu.memory_space<vmem>> -> memref<1x64xf32, #tpu.memory_space<vmem>>
        %dma_start3A_218 = arith.constant 0 : i32
        %dma_start3A_219 = tpu.memref_slice %arg2[%squeeze3A_211, %dma_start3A_218] : memref<1000000x64xf32, #tpu.memory_space<hbm>> -> memref<1x64xf32, #tpu.memory_space<hbm>>
        %dma_start3A_220 = arith.constant 0 : i32
        %dma_start3A_221 = tpu.memref_slice %arg6[%add3A_215, %dma_start3A_220] : memref<800x64xf32, #tpu.memory_space<vmem>> -> memref<1x64xf32, #tpu.memory_space<vmem>>
        %dma_start3A_222 = arith.constant 0 : i32
        %dma_start3A_223 = tpu.memref_slice %arg2[%squeeze3A_211, %dma_start3A_222] : memref<1000000x64xf32, #tpu.memory_space<hbm>> -> memref<1x64xf32, #tpu.memory_space<hbm>>
        tpu.enqueue_dma source(%dma_start3A_223 : memref<1x64xf32, #tpu.memory_space<hbm>>) target(%dma_start3A_221 : memref<1x64xf32, #tpu.memory_space<vmem>>) target_semaphore(%arg7 : memref<!tpu.dma_semaphore, #tpu.memory_space<semaphore_mem>>)
        %slice3A_224 = vector.extract_strided_slice %get3A_30 {offsets = [14], sizes = [1], strides = [1]} : vector<16xi32> to vector<1xi32>
        %squeeze3A_225 = vector.extract %slice3A_224[0] : i32 from vector<1xi32>
        %mul3A_226 = arith.constant 16 : i32
        %mul3A_227 = arith.muli %scan3A_23, %mul3A_226 : i32
        %add3A_228 = arith.constant 14 : i32
        %add3A_229 = arith.addi %mul3A_227, %add3A_228 : i32
        %dma_start3A_230 = arith.constant 0 : i32
        %dma_start3A_231 = tpu.memref_slice %arg6[%add3A_229, %dma_start3A_230] : memref<800x64xf32, #tpu.memory_space<vmem>> -> memref<1x64xf32, #tpu.memory_space<vmem>>
        %dma_start3A_232 = arith.constant 0 : i32
        %dma_start3A_233 = tpu.memref_slice %arg2[%squeeze3A_225, %dma_start3A_232] : memref<1000000x64xf32, #tpu.memory_space<hbm>> -> memref<1x64xf32, #tpu.memory_space<hbm>>
        %dma_start3A_234 = arith.constant 0 : i32
        %dma_start3A_235 = tpu.memref_slice %arg6[%add3A_229, %dma_start3A_234] : memref<800x64xf32, #tpu.memory_space<vmem>> -> memref<1x64xf32, #tpu.memory_space<vmem>>
        %dma_start3A_236 = arith.constant 0 : i32
        %dma_start3A_237 = tpu.memref_slice %arg2[%squeeze3A_225, %dma_start3A_236] : memref<1000000x64xf32, #tpu.memory_space<hbm>> -> memref<1x64xf32, #tpu.memory_space<hbm>>
        tpu.enqueue_dma source(%dma_start3A_237 : memref<1x64xf32, #tpu.memory_space<hbm>>) target(%dma_start3A_235 : memref<1x64xf32, #tpu.memory_space<vmem>>) target_semaphore(%arg7 : memref<!tpu.dma_semaphore, #tpu.memory_space<semaphore_mem>>)
        %slice3A_238 = vector.extract_strided_slice %get3A_30 {offsets = [15], sizes = [1], strides = [1]} : vector<16xi32> to vector<1xi32>
        %squeeze3A_239 = vector.extract %slice3A_238[0] : i32 from vector<1xi32>
        %mul3A_240 = arith.constant 16 : i32
        %mul3A_241 = arith.muli %scan3A_23, %mul3A_240 : i32
        %add3A_242 = arith.constant 15 : i32
        %add3A_243 = arith.addi %mul3A_241, %add3A_242 : i32
        %dma_start3A_244 = arith.constant 0 : i32
        %dma_start3A_245 = tpu.memref_slice %arg6[%add3A_243, %dma_start3A_244] : memref<800x64xf32, #tpu.memory_space<vmem>> -> memref<1x64xf32, #tpu.memory_space<vmem>>
        %dma_start3A_246 = arith.constant 0 : i32
        %dma_start3A_247 = tpu.memref_slice %arg2[%squeeze3A_239, %dma_start3A_246] : memref<1000000x64xf32, #tpu.memory_space<hbm>> -> memref<1x64xf32, #tpu.memory_space<hbm>>
        %dma_start3A_248 = arith.constant 0 : i32
        %dma_start3A_249 = tpu.memref_slice %arg6[%add3A_243, %dma_start3A_248] : memref<800x64xf32, #tpu.memory_space<vmem>> -> memref<1x64xf32, #tpu.memory_space<vmem>>
        %dma_start3A_250 = arith.constant 0 : i32
        %dma_start3A_251 = tpu.memref_slice %arg2[%squeeze3A_239, %dma_start3A_250] : memref<1000000x64xf32, #tpu.memory_space<hbm>> -> memref<1x64xf32, #tpu.memory_space<hbm>>
        tpu.enqueue_dma source(%dma_start3A_251 : memref<1x64xf32, #tpu.memory_space<hbm>>) target(%dma_start3A_249 : memref<1x64xf32, #tpu.memory_space<vmem>>) target_semaphore(%arg7 : memref<!tpu.dma_semaphore, #tpu.memory_space<semaphore_mem>>)
      }
      %scan3A_17 = arith.constant 50 : i32
      %dma_wait3A = arith.constant 0 : i32
      %dma_wait3A_18 = arith.constant 0 : i32
      %dma_wait3A_19 = tpu.memref_slice %arg2[%dma_wait3A, %dma_wait3A_18] : memref<1000000x64xf32, #tpu.memory_space<hbm>> -> memref<800x64xf32, #tpu.memory_space<hbm>>
      %dma_wait3A_20 = arith.constant 0 : i32
      %dma_wait3A_21 = arith.constant 0 : i32
      %dma_wait3A_22 = tpu.memref_slice %arg2[%dma_wait3A_20, %dma_wait3A_21] : memref<1000000x64xf32, #tpu.memory_space<hbm>> -> memref<800x64xf32, #tpu.memory_space<hbm>>
      tpu.wait_dma2 semaphore(%arg7 : memref<!tpu.dma_semaphore, #tpu.memory_space<semaphore_mem>>) src(%dma_wait3A_22 : memref<800x64xf32, #tpu.memory_space<hbm>>) dst(%arg6 : memref<800x64xf32, #tpu.memory_space<vmem>>)
      "tpu.region"() ({
        %run_scoped3A = tpu.sem_alloc : memref<!tpu.dma_semaphore, #tpu.memory_space<semaphore_mem>>
        %dma_start3A = arith.constant 0 : i32
        %dma_start3A_23 = tpu.memref_slice %arg4[%add3A_11, %dma_start3A] : memref<102400x64xf32, #tpu.memory_space<hbm>> -> memref<800x64xf32, #tpu.memory_space<hbm>>
        %dma_start3A_24 = arith.constant 0 : i32
        %dma_start3A_25 = tpu.memref_slice %arg4[%add3A_11, %dma_start3A_24] : memref<102400x64xf32, #tpu.memory_space<hbm>> -> memref<800x64xf32, #tpu.memory_space<hbm>>
        tpu.enqueue_dma source(%arg6 : memref<800x64xf32, #tpu.memory_space<vmem>>) target(%dma_start3A_25 : memref<800x64xf32, #tpu.memory_space<hbm>>) target_semaphore(%run_scoped3A : memref<!tpu.dma_semaphore, #tpu.memory_space<semaphore_mem>>)
        %dma_wait3A_26 = arith.constant 0 : i32
        %dma_wait3A_27 = tpu.memref_slice %arg4[%add3A_11, %dma_wait3A_26] : memref<102400x64xf32, #tpu.memory_space<hbm>> -> memref<800x64xf32, #tpu.memory_space<hbm>>
        %dma_wait3A_28 = arith.constant 0 : i32
        %dma_wait3A_29 = tpu.memref_slice %arg4[%add3A_11, %dma_wait3A_28] : memref<102400x64xf32, #tpu.memory_space<hbm>> -> memref<800x64xf32, #tpu.memory_space<hbm>>
        tpu.wait_dma2 semaphore(%run_scoped3A : memref<!tpu.dma_semaphore, #tpu.memory_space<semaphore_mem>>) src(%arg6 : memref<800x64xf32, #tpu.memory_space<vmem>>) dst(%dma_wait3A_29 : memref<800x64xf32, #tpu.memory_space<hbm>>)
        tpu.yield
      }) : () -> ()
    }
    %scan3A_7 = arith.constant 4 : i32
    return
  }
}

#map = affine_map<(d0, d1) -> (0, 0)>
#map1 = affine_map<(d0, d1) -> (0)>
module attributes {stable_mosaic.version = 14 : i64} {
  func.func @_sc_gather_body(%arg0: i32, %arg1: i32, %arg2: memref<1000000x64xf32, #tpu.memory_space<hbm>>, %arg3: memref<102400xi32, #tpu.memory_space<hbm>>, %arg4: memref<102400x64xf32, #tpu.memory_space<hbm>>, %arg5: memref<3200xi32, #tpu.memory_space<vmem>>, %arg6: memref<800x64xf32, #tpu.memory_space<vmem>>, %arg7: memref<!tpu.dma_semaphore, #tpu.memory_space<semaphore_mem>>) attributes {dimension_semantics = [#tpu.dimension_semantics<core_parallel>, #tpu.dimension_semantics<subcore_parallel>], iteration_bounds = array<i64: 2, 16>, scalar_prefetch = 0 : i64, scratch_operands = 3 : i64, tpu.core_type = #tpu.core_type<sc_vector_subcore>, window_params = [{transform_indices = #map}, {transform_indices = #map1}, {transform_indices = #map}]} {
    %mul3A = arith.constant 2 : i32
    %mul3A_0 = arith.muli %arg1, %mul3A : i32
    %add3A = arith.addi %mul3A_0, %arg0 : i32
    %mul3A_1 = arith.constant 3200 : i32
    %mul3A_2 = arith.muli %add3A, %mul3A_1 : i32
    "tpu.region"() ({
      %run_scoped3A = tpu.sem_alloc : memref<!tpu.dma_semaphore, #tpu.memory_space<semaphore_mem>>
      %dma_start3A = tpu.memref_slice %arg3[%mul3A_2] : memref<102400xi32, #tpu.memory_space<hbm>> -> memref<3200xi32, #tpu.memory_space<hbm>>
      %dma_start3A_8 = tpu.memref_slice %arg3[%mul3A_2] : memref<102400xi32, #tpu.memory_space<hbm>> -> memref<3200xi32, #tpu.memory_space<hbm>>
      tpu.enqueue_dma source(%dma_start3A_8 : memref<3200xi32, #tpu.memory_space<hbm>>) target(%arg5 : memref<3200xi32, #tpu.memory_space<vmem>>) target_semaphore(%run_scoped3A : memref<!tpu.dma_semaphore, #tpu.memory_space<semaphore_mem>>)
      %dma_wait3A = tpu.memref_slice %arg3[%mul3A_2] : memref<102400xi32, #tpu.memory_space<hbm>> -> memref<3200xi32, #tpu.memory_space<hbm>>
      %dma_wait3A_9 = tpu.memref_slice %arg3[%mul3A_2] : memref<102400xi32, #tpu.memory_space<hbm>> -> memref<3200xi32, #tpu.memory_space<hbm>>
      tpu.wait_dma2 semaphore(%run_scoped3A : memref<!tpu.dma_semaphore, #tpu.memory_space<semaphore_mem>>) src(%dma_wait3A_9 : memref<3200xi32, #tpu.memory_space<hbm>>) dst(%arg5 : memref<3200xi32, #tpu.memory_space<vmem>>)
      tpu.yield
    }) : () -> ()
    %scan3A = arith.constant 0 : i32
    %scan3A_3 = arith.constant 0 : i32
    %scan3A_4 = arith.constant 4 : i32
    %scan3A_5 = arith.addi %scan3A_3, %scan3A_4 : i32
    %scan3A_6 = arith.constant 1 : i32
    scf.for %scan3A_8 = %scan3A_3 to %scan3A_5 step %scan3A_6  : i32 {
      %mul3A_9 = arith.constant 800 : i32
      %mul3A_10 = arith.muli %scan3A_8, %mul3A_9 : i32
      %add3A_11 = arith.addi %mul3A_2, %mul3A_10 : i32
      %scan3A_12 = arith.constant 0 : i32
      %scan3A_13 = arith.constant 0 : i32
      %scan3A_14 = arith.constant 50 : i32
      %scan3A_15 = arith.addi %scan3A_13, %scan3A_14 : i32
      %scan3A_16 = arith.constant 1 : i32
      scf.for %scan3A_23 = %scan3A_13 to %scan3A_15 step %scan3A_16  : i32 {
        %mul3A_24 = arith.constant 800 : i32
        %mul3A_25 = arith.muli %scan3A_8, %mul3A_24 : i32
        %mul3A_26 = arith.constant 16 : i32
        %mul3A_27 = arith.muli %scan3A_23, %mul3A_26 : i32
        %add3A_28 = arith.addi %mul3A_25, %mul3A_27 : i32
        %get3A = arith.index_cast %add3A_28 : i32 to index
        %get3A_29 = tpu.vector_load %arg5[%get3A] {strides = array<i32>} : memref<3200xi32, #tpu.memory_space<vmem>>, vector<16xi32>,
        %get3A_30 = vector.shape_cast %get3A_29 : vector<16xi32> to vector<16xi32>
        %slice3A = vector.extract_strided_slice %get3A_30 {offsets = [0], sizes = [1], strides = [1]} : vector<16xi32> to vector<1xi32>
        %squeeze3A = vector.extract %slice3A[0] : i32 from vector<1xi32>
        %mul3A_31 = arith.constant 16 : i32
        %mul3A_32 = arith.muli %scan3A_23, %mul3A_31 : i32
        %add3A_33 = arith.constant 0 : i32
        %add3A_34 = arith.addi %mul3A_32, %add3A_33 : i32
        %dma_start3A = arith.constant 0 : i32
        %dma_start3A_35 = tpu.memref_slice %arg6[%add3A_34, %dma_start3A] : memref<800x64xf32, #tpu.memory_space<vmem>> -> memref<1x64xf32, #tpu.memory_space<vmem>>
        %dma_start3A_36 = arith.constant 0 : i32
        %dma_start3A_37 = tpu.memref_slice %arg2[%squeeze3A, %dma_start3A_36] : memref<1000000x64xf32, #tpu.memory_space<hbm>> -> memref<1x64xf32, #tpu.memory_space<hbm>>
        %dma_start3A_38 = arith.constant 0 : i32
        %dma_start3A_39 = tpu.memref_slice %arg6[%add3A_34, %dma_start3A_38] : memref<800x64xf32, #tpu.memory_space<vmem>> -> memref<1x64xf32, #tpu.memory_space<vmem>>
        %dma_start3A_40 = arith.constant 0 : i32
        %dma_start3A_41 = tpu.memref_slice %arg2[%squeeze3A, %dma_start3A_40] : memref<1000000x64xf32, #tpu.memory_space<hbm>> -> memref<1x64xf32, #tpu.memory_space<hbm>>
        tpu.enqueue_dma source(%dma_start3A_41 : memref<1x64xf32, #tpu.memory_space<hbm>>) target(%dma_start3A_39 : memref<1x64xf32, #tpu.memory_space<vmem>>) target_semaphore(%arg7 : memref<!tpu.dma_semaphore, #tpu.memory_space<semaphore_mem>>)
        %slice3A_42 = vector.extract_strided_slice %get3A_30 {offsets = [1], sizes = [1], strides = [1]} : vector<16xi32> to vector<1xi32>
        %squeeze3A_43 = vector.extract %slice3A_42[0] : i32 from vector<1xi32>
        %mul3A_44 = arith.constant 16 : i32
        %mul3A_45 = arith.muli %scan3A_23, %mul3A_44 : i32
        %add3A_46 = arith.constant 1 : i32
        %add3A_47 = arith.addi %mul3A_45, %add3A_46 : i32
        %dma_start3A_48 = arith.constant 0 : i32
        %dma_start3A_49 = tpu.memref_slice %arg6[%add3A_47, %dma_start3A_48] : memref<800x64xf32, #tpu.memory_space<vmem>> -> memref<1x64xf32, #tpu.memory_space<vmem>>
        %dma_start3A_50 = arith.constant 0 : i32
        %dma_start3A_51 = tpu.memref_slice %arg2[%squeeze3A_43, %dma_start3A_50] : memref<1000000x64xf32, #tpu.memory_space<hbm>> -> memref<1x64xf32, #tpu.memory_space<hbm>>
        %dma_start3A_52 = arith.constant 0 : i32
        %dma_start3A_53 = tpu.memref_slice %arg6[%add3A_47, %dma_start3A_52] : memref<800x64xf32, #tpu.memory_space<vmem>> -> memref<1x64xf32, #tpu.memory_space<vmem>>
        %dma_start3A_54 = arith.constant 0 : i32
        %dma_start3A_55 = tpu.memref_slice %arg2[%squeeze3A_43, %dma_start3A_54] : memref<1000000x64xf32, #tpu.memory_space<hbm>> -> memref<1x64xf32, #tpu.memory_space<hbm>>
        tpu.enqueue_dma source(%dma_start3A_55 : memref<1x64xf32, #tpu.memory_space<hbm>>) target(%dma_start3A_53 : memref<1x64xf32, #tpu.memory_space<vmem>>) target_semaphore(%arg7 : memref<!tpu.dma_semaphore, #tpu.memory_space<semaphore_mem>>)
        %slice3A_56 = vector.extract_strided_slice %get3A_30 {offsets = [2], sizes = [1], strides = [1]} : vector<16xi32> to vector<1xi32>
        %squeeze3A_57 = vector.extract %slice3A_56[0] : i32 from vector<1xi32>
        %mul3A_58 = arith.constant 16 : i32
        %mul3A_59 = arith.muli %scan3A_23, %mul3A_58 : i32
        %add3A_60 = arith.constant 2 : i32
        %add3A_61 = arith.addi %mul3A_59, %add3A_60 : i32
        %dma_start3A_62 = arith.constant 0 : i32
        %dma_start3A_63 = tpu.memref_slice %arg6[%add3A_61, %dma_start3A_62] : memref<800x64xf32, #tpu.memory_space<vmem>> -> memref<1x64xf32, #tpu.memory_space<vmem>>
        %dma_start3A_64 = arith.constant 0 : i32
        %dma_start3A_65 = tpu.memref_slice %arg2[%squeeze3A_57, %dma_start3A_64] : memref<1000000x64xf32, #tpu.memory_space<hbm>> -> memref<1x64xf32, #tpu.memory_space<hbm>>
        %dma_start3A_66 = arith.constant 0 : i32
        %dma_start3A_67 = tpu.memref_slice %arg6[%add3A_61, %dma_start3A_66] : memref<800x64xf32, #tpu.memory_space<vmem>> -> memref<1x64xf32, #tpu.memory_space<vmem>>
        %dma_start3A_68 = arith.constant 0 : i32
        %dma_start3A_69 = tpu.memref_slice %arg2[%squeeze3A_57, %dma_start3A_68] : memref<1000000x64xf32, #tpu.memory_space<hbm>> -> memref<1x64xf32, #tpu.memory_space<hbm>>
        tpu.enqueue_dma source(%dma_start3A_69 : memref<1x64xf32, #tpu.memory_space<hbm>>) target(%dma_start3A_67 : memref<1x64xf32, #tpu.memory_space<vmem>>) target_semaphore(%arg7 : memref<!tpu.dma_semaphore, #tpu.memory_space<semaphore_mem>>)
        %slice3A_70 = vector.extract_strided_slice %get3A_30 {offsets = [3], sizes = [1], strides = [1]} : vector<16xi32> to vector<1xi32>
        %squeeze3A_71 = vector.extract %slice3A_70[0] : i32 from vector<1xi32>
        %mul3A_72 = arith.constant 16 : i32
        %mul3A_73 = arith.muli %scan3A_23, %mul3A_72 : i32
        %add3A_74 = arith.constant 3 : i32
        %add3A_75 = arith.addi %mul3A_73, %add3A_74 : i32
        %dma_start3A_76 = arith.constant 0 : i32
        %dma_start3A_77 = tpu.memref_slice %arg6[%add3A_75, %dma_start3A_76] : memref<800x64xf32, #tpu.memory_space<vmem>> -> memref<1x64xf32, #tpu.memory_space<vmem>>
        %dma_start3A_78 = arith.constant 0 : i32
        %dma_start3A_79 = tpu.memref_slice %arg2[%squeeze3A_71, %dma_start3A_78] : memref<1000000x64xf32, #tpu.memory_space<hbm>> -> memref<1x64xf32, #tpu.memory_space<hbm>>
        %dma_start3A_80 = arith.constant 0 : i32
        %dma_start3A_81 = tpu.memref_slice %arg6[%add3A_75, %dma_start3A_80] : memref<800x64xf32, #tpu.memory_space<vmem>> -> memref<1x64xf32, #tpu.memory_space<vmem>>
        %dma_start3A_82 = arith.constant 0 : i32
        %dma_start3A_83 = tpu.memref_slice %arg2[%squeeze3A_71, %dma_start3A_82] : memref<1000000x64xf32, #tpu.memory_space<hbm>> -> memref<1x64xf32, #tpu.memory_space<hbm>>
        tpu.enqueue_dma source(%dma_start3A_83 : memref<1x64xf32, #tpu.memory_space<hbm>>) target(%dma_start3A_81 : memref<1x64xf32, #tpu.memory_space<vmem>>) target_semaphore(%arg7 : memref<!tpu.dma_semaphore, #tpu.memory_space<semaphore_mem>>)
        %slice3A_84 = vector.extract_strided_slice %get3A_30 {offsets = [4], sizes = [1], strides = [1]} : vector<16xi32> to vector<1xi32>
        %squeeze3A_85 = vector.extract %slice3A_84[0] : i32 from vector<1xi32>
        %mul3A_86 = arith.constant 16 : i32
        %mul3A_87 = arith.muli %scan3A_23, %mul3A_86 : i32
        %add3A_88 = arith.constant 4 : i32
        %add3A_89 = arith.addi %mul3A_87, %add3A_88 : i32
        %dma_start3A_90 = arith.constant 0 : i32
        %dma_start3A_91 = tpu.memref_slice %arg6[%add3A_89, %dma_start3A_90] : memref<800x64xf32, #tpu.memory_space<vmem>> -> memref<1x64xf32, #tpu.memory_space<vmem>>
        %dma_start3A_92 = arith.constant 0 : i32
        %dma_start3A_93 = tpu.memref_slice %arg2[%squeeze3A_85, %dma_start3A_92] : memref<1000000x64xf32, #tpu.memory_space<hbm>> -> memref<1x64xf32, #tpu.memory_space<hbm>>
        %dma_start3A_94 = arith.constant 0 : i32
        %dma_start3A_95 = tpu.memref_slice %arg6[%add3A_89, %dma_start3A_94] : memref<800x64xf32, #tpu.memory_space<vmem>> -> memref<1x64xf32, #tpu.memory_space<vmem>>
        %dma_start3A_96 = arith.constant 0 : i32
        %dma_start3A_97 = tpu.memref_slice %arg2[%squeeze3A_85, %dma_start3A_96] : memref<1000000x64xf32, #tpu.memory_space<hbm>> -> memref<1x64xf32, #tpu.memory_space<hbm>>
        tpu.enqueue_dma source(%dma_start3A_97 : memref<1x64xf32, #tpu.memory_space<hbm>>) target(%dma_start3A_95 : memref<1x64xf32, #tpu.memory_space<vmem>>) target_semaphore(%arg7 : memref<!tpu.dma_semaphore, #tpu.memory_space<semaphore_mem>>)
        %slice3A_98 = vector.extract_strided_slice %get3A_30 {offsets = [5], sizes = [1], strides = [1]} : vector<16xi32> to vector<1xi32>
        %squeeze3A_99 = vector.extract %slice3A_98[0] : i32 from vector<1xi32>
        %mul3A_100 = arith.constant 16 : i32
        %mul3A_101 = arith.muli %scan3A_23, %mul3A_100 : i32
        %add3A_102 = arith.constant 5 : i32
        %add3A_103 = arith.addi %mul3A_101, %add3A_102 : i32
        %dma_start3A_104 = arith.constant 0 : i32
        %dma_start3A_105 = tpu.memref_slice %arg6[%add3A_103, %dma_start3A_104] : memref<800x64xf32, #tpu.memory_space<vmem>> -> memref<1x64xf32, #tpu.memory_space<vmem>>
        %dma_start3A_106 = arith.constant 0 : i32
        %dma_start3A_107 = tpu.memref_slice %arg2[%squeeze3A_99, %dma_start3A_106] : memref<1000000x64xf32, #tpu.memory_space<hbm>> -> memref<1x64xf32, #tpu.memory_space<hbm>>
        %dma_start3A_108 = arith.constant 0 : i32
        %dma_start3A_109 = tpu.memref_slice %arg6[%add3A_103, %dma_start3A_108] : memref<800x64xf32, #tpu.memory_space<vmem>> -> memref<1x64xf32, #tpu.memory_space<vmem>>
        %dma_start3A_110 = arith.constant 0 : i32
        %dma_start3A_111 = tpu.memref_slice %arg2[%squeeze3A_99, %dma_start3A_110] : memref<1000000x64xf32, #tpu.memory_space<hbm>> -> memref<1x64xf32, #tpu.memory_space<hbm>>
        tpu.enqueue_dma source(%dma_start3A_111 : memref<1x64xf32, #tpu.memory_space<hbm>>) target(%dma_start3A_109 : memref<1x64xf32, #tpu.memory_space<vmem>>) target_semaphore(%arg7 : memref<!tpu.dma_semaphore, #tpu.memory_space<semaphore_mem>>)
        %slice3A_112 = vector.extract_strided_slice %get3A_30 {offsets = [6], sizes = [1], strides = [1]} : vector<16xi32> to vector<1xi32>
        %squeeze3A_113 = vector.extract %slice3A_112[0] : i32 from vector<1xi32>
        %mul3A_114 = arith.constant 16 : i32
        %mul3A_115 = arith.muli %scan3A_23, %mul3A_114 : i32
        %add3A_116 = arith.constant 6 : i32
        %add3A_117 = arith.addi %mul3A_115, %add3A_116 : i32
        %dma_start3A_118 = arith.constant 0 : i32
        %dma_start3A_119 = tpu.memref_slice %arg6[%add3A_117, %dma_start3A_118] : memref<800x64xf32, #tpu.memory_space<vmem>> -> memref<1x64xf32, #tpu.memory_space<vmem>>
        %dma_start3A_120 = arith.constant 0 : i32
        %dma_start3A_121 = tpu.memref_slice %arg2[%squeeze3A_113, %dma_start3A_120] : memref<1000000x64xf32, #tpu.memory_space<hbm>> -> memref<1x64xf32, #tpu.memory_space<hbm>>
        %dma_start3A_122 = arith.constant 0 : i32
        %dma_start3A_123 = tpu.memref_slice %arg6[%add3A_117, %dma_start3A_122] : memref<800x64xf32, #tpu.memory_space<vmem>> -> memref<1x64xf32, #tpu.memory_space<vmem>>
        %dma_start3A_124 = arith.constant 0 : i32
        %dma_start3A_125 = tpu.memref_slice %arg2[%squeeze3A_113, %dma_start3A_124] : memref<1000000x64xf32, #tpu.memory_space<hbm>> -> memref<1x64xf32, #tpu.memory_space<hbm>>
        tpu.enqueue_dma source(%dma_start3A_125 : memref<1x64xf32, #tpu.memory_space<hbm>>) target(%dma_start3A_123 : memref<1x64xf32, #tpu.memory_space<vmem>>) target_semaphore(%arg7 : memref<!tpu.dma_semaphore, #tpu.memory_space<semaphore_mem>>)
        %slice3A_126 = vector.extract_strided_slice %get3A_30 {offsets = [7], sizes = [1], strides = [1]} : vector<16xi32> to vector<1xi32>
        %squeeze3A_127 = vector.extract %slice3A_126[0] : i32 from vector<1xi32>
        %mul3A_128 = arith.constant 16 : i32
        %mul3A_129 = arith.muli %scan3A_23, %mul3A_128 : i32
        %add3A_130 = arith.constant 7 : i32
        %add3A_131 = arith.addi %mul3A_129, %add3A_130 : i32
        %dma_start3A_132 = arith.constant 0 : i32
        %dma_start3A_133 = tpu.memref_slice %arg6[%add3A_131, %dma_start3A_132] : memref<800x64xf32, #tpu.memory_space<vmem>> -> memref<1x64xf32, #tpu.memory_space<vmem>>
        %dma_start3A_134 = arith.constant 0 : i32
        %dma_start3A_135 = tpu.memref_slice %arg2[%squeeze3A_127, %dma_start3A_134] : memref<1000000x64xf32, #tpu.memory_space<hbm>> -> memref<1x64xf32, #tpu.memory_space<hbm>>
        %dma_start3A_136 = arith.constant 0 : i32
        %dma_start3A_137 = tpu.memref_slice %arg6[%add3A_131, %dma_start3A_136] : memref<800x64xf32, #tpu.memory_space<vmem>> -> memref<1x64xf32, #tpu.memory_space<vmem>>
        %dma_start3A_138 = arith.constant 0 : i32
        %dma_start3A_139 = tpu.memref_slice %arg2[%squeeze3A_127, %dma_start3A_138] : memref<1000000x64xf32, #tpu.memory_space<hbm>> -> memref<1x64xf32, #tpu.memory_space<hbm>>
        tpu.enqueue_dma source(%dma_start3A_139 : memref<1x64xf32, #tpu.memory_space<hbm>>) target(%dma_start3A_137 : memref<1x64xf32, #tpu.memory_space<vmem>>) target_semaphore(%arg7 : memref<!tpu.dma_semaphore, #tpu.memory_space<semaphore_mem>>)
        %slice3A_140 = vector.extract_strided_slice %get3A_30 {offsets = [8], sizes = [1], strides = [1]} : vector<16xi32> to vector<1xi32>
        %squeeze3A_141 = vector.extract %slice3A_140[0] : i32 from vector<1xi32>
        %mul3A_142 = arith.constant 16 : i32
        %mul3A_143 = arith.muli %scan3A_23, %mul3A_142 : i32
        %add3A_144 = arith.constant 8 : i32
        %add3A_145 = arith.addi %mul3A_143, %add3A_144 : i32
        %dma_start3A_146 = arith.constant 0 : i32
        %dma_start3A_147 = tpu.memref_slice %arg6[%add3A_145, %dma_start3A_146] : memref<800x64xf32, #tpu.memory_space<vmem>> -> memref<1x64xf32, #tpu.memory_space<vmem>>
        %dma_start3A_148 = arith.constant 0 : i32
        %dma_start3A_149 = tpu.memref_slice %arg2[%squeeze3A_141, %dma_start3A_148] : memref<1000000x64xf32, #tpu.memory_space<hbm>> -> memref<1x64xf32, #tpu.memory_space<hbm>>
        %dma_start3A_150 = arith.constant 0 : i32
        %dma_start3A_151 = tpu.memref_slice %arg6[%add3A_145, %dma_start3A_150] : memref<800x64xf32, #tpu.memory_space<vmem>> -> memref<1x64xf32, #tpu.memory_space<vmem>>
        %dma_start3A_152 = arith.constant 0 : i32
        %dma_start3A_153 = tpu.memref_slice %arg2[%squeeze3A_141, %dma_start3A_152] : memref<1000000x64xf32, #tpu.memory_space<hbm>> -> memref<1x64xf32, #tpu.memory_space<hbm>>
        tpu.enqueue_dma source(%dma_start3A_153 : memref<1x64xf32, #tpu.memory_space<hbm>>) target(%dma_start3A_151 : memref<1x64xf32, #tpu.memory_space<vmem>>) target_semaphore(%arg7 : memref<!tpu.dma_semaphore, #tpu.memory_space<semaphore_mem>>)
        %slice3A_154 = vector.extract_strided_slice %get3A_30 {offsets = [9], sizes = [1], strides = [1]} : vector<16xi32> to vector<1xi32>
        %squeeze3A_155 = vector.extract %slice3A_154[0] : i32 from vector<1xi32>
        %mul3A_156 = arith.constant 16 : i32
        %mul3A_157 = arith.muli %scan3A_23, %mul3A_156 : i32
        %add3A_158 = arith.constant 9 : i32
        %add3A_159 = arith.addi %mul3A_157, %add3A_158 : i32
        %dma_start3A_160 = arith.constant 0 : i32
        %dma_start3A_161 = tpu.memref_slice %arg6[%add3A_159, %dma_start3A_160] : memref<800x64xf32, #tpu.memory_space<vmem>> -> memref<1x64xf32, #tpu.memory_space<vmem>>
        %dma_start3A_162 = arith.constant 0 : i32
        %dma_start3A_163 = tpu.memref_slice %arg2[%squeeze3A_155, %dma_start3A_162] : memref<1000000x64xf32, #tpu.memory_space<hbm>> -> memref<1x64xf32, #tpu.memory_space<hbm>>
        %dma_start3A_164 = arith.constant 0 : i32
        %dma_start3A_165 = tpu.memref_slice %arg6[%add3A_159, %dma_start3A_164] : memref<800x64xf32, #tpu.memory_space<vmem>> -> memref<1x64xf32, #tpu.memory_space<vmem>>
        %dma_start3A_166 = arith.constant 0 : i32
        %dma_start3A_167 = tpu.memref_slice %arg2[%squeeze3A_155, %dma_start3A_166] : memref<1000000x64xf32, #tpu.memory_space<hbm>> -> memref<1x64xf32, #tpu.memory_space<hbm>>
        tpu.enqueue_dma source(%dma_start3A_167 : memref<1x64xf32, #tpu.memory_space<hbm>>) target(%dma_start3A_165 : memref<1x64xf32, #tpu.memory_space<vmem>>) target_semaphore(%arg7 : memref<!tpu.dma_semaphore, #tpu.memory_space<semaphore_mem>>)
        %slice3A_168 = vector.extract_strided_slice %get3A_30 {offsets = [10], sizes = [1], strides = [1]} : vector<16xi32> to vector<1xi32>
        %squeeze3A_169 = vector.extract %slice3A_168[0] : i32 from vector<1xi32>
        %mul3A_170 = arith.constant 16 : i32
        %mul3A_171 = arith.muli %scan3A_23, %mul3A_170 : i32
        %add3A_172 = arith.constant 10 : i32
        %add3A_173 = arith.addi %mul3A_171, %add3A_172 : i32
        %dma_start3A_174 = arith.constant 0 : i32
        %dma_start3A_175 = tpu.memref_slice %arg6[%add3A_173, %dma_start3A_174] : memref<800x64xf32, #tpu.memory_space<vmem>> -> memref<1x64xf32, #tpu.memory_space<vmem>>
        %dma_start3A_176 = arith.constant 0 : i32
        %dma_start3A_177 = tpu.memref_slice %arg2[%squeeze3A_169, %dma_start3A_176] : memref<1000000x64xf32, #tpu.memory_space<hbm>> -> memref<1x64xf32, #tpu.memory_space<hbm>>
        %dma_start3A_178 = arith.constant 0 : i32
        %dma_start3A_179 = tpu.memref_slice %arg6[%add3A_173, %dma_start3A_178] : memref<800x64xf32, #tpu.memory_space<vmem>> -> memref<1x64xf32, #tpu.memory_space<vmem>>
        %dma_start3A_180 = arith.constant 0 : i32
        %dma_start3A_181 = tpu.memref_slice %arg2[%squeeze3A_169, %dma_start3A_180] : memref<1000000x64xf32, #tpu.memory_space<hbm>> -> memref<1x64xf32, #tpu.memory_space<hbm>>
        tpu.enqueue_dma source(%dma_start3A_181 : memref<1x64xf32, #tpu.memory_space<hbm>>) target(%dma_start3A_179 : memref<1x64xf32, #tpu.memory_space<vmem>>) target_semaphore(%arg7 : memref<!tpu.dma_semaphore, #tpu.memory_space<semaphore_mem>>)
        %slice3A_182 = vector.extract_strided_slice %get3A_30 {offsets = [11], sizes = [1], strides = [1]} : vector<16xi32> to vector<1xi32>
        %squeeze3A_183 = vector.extract %slice3A_182[0] : i32 from vector<1xi32>
        %mul3A_184 = arith.constant 16 : i32
        %mul3A_185 = arith.muli %scan3A_23, %mul3A_184 : i32
        %add3A_186 = arith.constant 11 : i32
        %add3A_187 = arith.addi %mul3A_185, %add3A_186 : i32
        %dma_start3A_188 = arith.constant 0 : i32
        %dma_start3A_189 = tpu.memref_slice %arg6[%add3A_187, %dma_start3A_188] : memref<800x64xf32, #tpu.memory_space<vmem>> -> memref<1x64xf32, #tpu.memory_space<vmem>>
        %dma_start3A_190 = arith.constant 0 : i32
        %dma_start3A_191 = tpu.memref_slice %arg2[%squeeze3A_183, %dma_start3A_190] : memref<1000000x64xf32, #tpu.memory_space<hbm>> -> memref<1x64xf32, #tpu.memory_space<hbm>>
        %dma_start3A_192 = arith.constant 0 : i32
        %dma_start3A_193 = tpu.memref_slice %arg6[%add3A_187, %dma_start3A_192] : memref<800x64xf32, #tpu.memory_space<vmem>> -> memref<1x64xf32, #tpu.memory_space<vmem>>
        %dma_start3A_194 = arith.constant 0 : i32
        %dma_start3A_195 = tpu.memref_slice %arg2[%squeeze3A_183, %dma_start3A_194] : memref<1000000x64xf32, #tpu.memory_space<hbm>> -> memref<1x64xf32, #tpu.memory_space<hbm>>
        tpu.enqueue_dma source(%dma_start3A_195 : memref<1x64xf32, #tpu.memory_space<hbm>>) target(%dma_start3A_193 : memref<1x64xf32, #tpu.memory_space<vmem>>) target_semaphore(%arg7 : memref<!tpu.dma_semaphore, #tpu.memory_space<semaphore_mem>>)
        %slice3A_196 = vector.extract_strided_slice %get3A_30 {offsets = [12], sizes = [1], strides = [1]} : vector<16xi32> to vector<1xi32>
        %squeeze3A_197 = vector.extract %slice3A_196[0] : i32 from vector<1xi32>
        %mul3A_198 = arith.constant 16 : i32
        %mul3A_199 = arith.muli %scan3A_23, %mul3A_198 : i32
        %add3A_200 = arith.constant 12 : i32
        %add3A_201 = arith.addi %mul3A_199, %add3A_200 : i32
        %dma_start3A_202 = arith.constant 0 : i32
        %dma_start3A_203 = tpu.memref_slice %arg6[%add3A_201, %dma_start3A_202] : memref<800x64xf32, #tpu.memory_space<vmem>> -> memref<1x64xf32, #tpu.memory_space<vmem>>
        %dma_start3A_204 = arith.constant 0 : i32
        %dma_start3A_205 = tpu.memref_slice %arg2[%squeeze3A_197, %dma_start3A_204] : memref<1000000x64xf32, #tpu.memory_space<hbm>> -> memref<1x64xf32, #tpu.memory_space<hbm>>
        %dma_start3A_206 = arith.constant 0 : i32
        %dma_start3A_207 = tpu.memref_slice %arg6[%add3A_201, %dma_start3A_206] : memref<800x64xf32, #tpu.memory_space<vmem>> -> memref<1x64xf32, #tpu.memory_space<vmem>>
        %dma_start3A_208 = arith.constant 0 : i32
        %dma_start3A_209 = tpu.memref_slice %arg2[%squeeze3A_197, %dma_start3A_208] : memref<1000000x64xf32, #tpu.memory_space<hbm>> -> memref<1x64xf32, #tpu.memory_space<hbm>>
        tpu.enqueue_dma source(%dma_start3A_209 : memref<1x64xf32, #tpu.memory_space<hbm>>) target(%dma_start3A_207 : memref<1x64xf32, #tpu.memory_space<vmem>>) target_semaphore(%arg7 : memref<!tpu.dma_semaphore, #tpu.memory_space<semaphore_mem>>)
        %slice3A_210 = vector.extract_strided_slice %get3A_30 {offsets = [13], sizes = [1], strides = [1]} : vector<16xi32> to vector<1xi32>
        %squeeze3A_211 = vector.extract %slice3A_210[0] : i32 from vector<1xi32>
        %mul3A_212 = arith.constant 16 : i32
        %mul3A_213 = arith.muli %scan3A_23, %mul3A_212 : i32
        %add3A_214 = arith.constant 13 : i32
        %add3A_215 = arith.addi %mul3A_213, %add3A_214 : i32
        %dma_start3A_216 = arith.constant 0 : i32
        %dma_start3A_217 = tpu.memref_slice %arg6[%add3A_215, %dma_start3A_216] : memref<800x64xf32, #tpu.memory_space<vmem>> -> memref<1x64xf32, #tpu.memory_space<vmem>>
        %dma_start3A_218 = arith.constant 0 : i32
        %dma_start3A_219 = tpu.memref_slice %arg2[%squeeze3A_211, %dma_start3A_218] : memref<1000000x64xf32, #tpu.memory_space<hbm>> -> memref<1x64xf32, #tpu.memory_space<hbm>>
        %dma_start3A_220 = arith.constant 0 : i32
        %dma_start3A_221 = tpu.memref_slice %arg6[%add3A_215, %dma_start3A_220] : memref<800x64xf32, #tpu.memory_space<vmem>> -> memref<1x64xf32, #tpu.memory_space<vmem>>
        %dma_start3A_222 = arith.constant 0 : i32
        %dma_start3A_223 = tpu.memref_slice %arg2[%squeeze3A_211, %dma_start3A_222] : memref<1000000x64xf32, #tpu.memory_space<hbm>> -> memref<1x64xf32, #tpu.memory_space<hbm>>
        tpu.enqueue_dma source(%dma_start3A_223 : memref<1x64xf32, #tpu.memory_space<hbm>>) target(%dma_start3A_221 : memref<1x64xf32, #tpu.memory_space<vmem>>) target_semaphore(%arg7 : memref<!tpu.dma_semaphore, #tpu.memory_space<semaphore_mem>>)
        %slice3A_224 = vector.extract_strided_slice %get3A_30 {offsets = [14], sizes = [1], strides = [1]} : vector<16xi32> to vector<1xi32>
        %squeeze3A_225 = vector.extract %slice3A_224[0] : i32 from vector<1xi32>
        %mul3A_226 = arith.constant 16 : i32
        %mul3A_227 = arith.muli %scan3A_23, %mul3A_226 : i32
        %add3A_228 = arith.constant 14 : i32
        %add3A_229 = arith.addi %mul3A_227, %add3A_228 : i32
        %dma_start3A_230 = arith.constant 0 : i32
        %dma_start3A_231 = tpu.memref_slice %arg6[%add3A_229, %dma_start3A_230] : memref<800x64xf32, #tpu.memory_space<vmem>> -> memref<1x64xf32, #tpu.memory_space<vmem>>
        %dma_start3A_232 = arith.constant 0 : i32
        %dma_start3A_233 = tpu.memref_slice %arg2[%squeeze3A_225, %dma_start3A_232] : memref<1000000x64xf32, #tpu.memory_space<hbm>> -> memref<1x64xf32, #tpu.memory_space<hbm>>
        %dma_start3A_234 = arith.constant 0 : i32
        %dma_start3A_235 = tpu.memref_slice %arg6[%add3A_229, %dma_start3A_234] : memref<800x64xf32, #tpu.memory_space<vmem>> -> memref<1x64xf32, #tpu.memory_space<vmem>>
        %dma_start3A_236 = arith.constant 0 : i32
        %dma_start3A_237 = tpu.memref_slice %arg2[%squeeze3A_225, %dma_start3A_236] : memref<1000000x64xf32, #tpu.memory_space<hbm>> -> memref<1x64xf32, #tpu.memory_space<hbm>>
        tpu.enqueue_dma source(%dma_start3A_237 : memref<1x64xf32, #tpu.memory_space<hbm>>) target(%dma_start3A_235 : memref<1x64xf32, #tpu.memory_space<vmem>>) target_semaphore(%arg7 : memref<!tpu.dma_semaphore, #tpu.memory_space<semaphore_mem>>)
        %slice3A_238 = vector.extract_strided_slice %get3A_30 {offsets = [15], sizes = [1], strides = [1]} : vector<16xi32> to vector<1xi32>
        %squeeze3A_239 = vector.extract %slice3A_238[0] : i32 from vector<1xi32>
        %mul3A_240 = arith.constant 16 : i32
        %mul3A_241 = arith.muli %scan3A_23, %mul3A_240 : i32
        %add3A_242 = arith.constant 15 : i32
        %add3A_243 = arith.addi %mul3A_241, %add3A_242 : i32
        %dma_start3A_244 = arith.constant 0 : i32
        %dma_start3A_245 = tpu.memref_slice %arg6[%add3A_243, %dma_start3A_244] : memref<800x64xf32, #tpu.memory_space<vmem>> -> memref<1x64xf32, #tpu.memory_space<vmem>>
        %dma_start3A_246 = arith.constant 0 : i32
        %dma_start3A_247 = tpu.memref_slice %arg2[%squeeze3A_239, %dma_start3A_246] : memref<1000000x64xf32, #tpu.memory_space<hbm>> -> memref<1x64xf32, #tpu.memory_space<hbm>>
        %dma_start3A_248 = arith.constant 0 : i32
        %dma_start3A_249 = tpu.memref_slice %arg6[%add3A_243, %dma_start3A_248] : memref<800x64xf32, #tpu.memory_space<vmem>> -> memref<1x64xf32, #tpu.memory_space<vmem>>
        %dma_start3A_250 = arith.constant 0 : i32
        %dma_start3A_251 = tpu.memref_slice %arg2[%squeeze3A_239, %dma_start3A_250] : memref<1000000x64xf32, #tpu.memory_space<hbm>> -> memref<1x64xf32, #tpu.memory_space<hbm>>
        tpu.enqueue_dma source(%dma_start3A_251 : memref<1x64xf32, #tpu.memory_space<hbm>>) target(%dma_start3A_249 : memref<1x64xf32, #tpu.memory_space<vmem>>) target_semaphore(%arg7 : memref<!tpu.dma_semaphore, #tpu.memory_space<semaphore_mem>>)
      }
      %scan3A_17 = arith.constant 50 : i32
      %dma_wait3A = arith.constant 0 : i32
      %dma_wait3A_18 = arith.constant 0 : i32
      %dma_wait3A_19 = tpu.memref_slice %arg2[%dma_wait3A, %dma_wait3A_18] : memref<1000000x64xf32, #tpu.memory_space<hbm>> -> memref<800x64xf32, #tpu.memory_space<hbm>>
      %dma_wait3A_20 = arith.constant 0 : i32
      %dma_wait3A_21 = arith.constant 0 : i32
      %dma_wait3A_22 = tpu.memref_slice %arg2[%dma_wait3A_20, %dma_wait3A_21] : memref<1000000x64xf32, #tpu.memory_space<hbm>> -> memref<800x64xf32, #tpu.memory_space<hbm>>
      tpu.wait_dma2 semaphore(%arg7 : memref<!tpu.dma_semaphore, #tpu.memory_space<semaphore_mem>>) src(%dma_wait3A_22 : memref<800x64xf32, #tpu.memory_space<hbm>>) dst(%arg6 : memref<800x64xf32, #tpu.memory_space<vmem>>)
      "tpu.region"() ({
        %run_scoped3A = tpu.sem_alloc : memref<!tpu.dma_semaphore, #tpu.memory_space<semaphore_mem>>
        %dma_start3A = arith.constant 0 : i32
        %dma_start3A_23 = tpu.memref_slice %arg4[%add3A_11, %dma_start3A] : memref<102400x64xf32, #tpu.memory_space<hbm>> -> memref<800x64xf32, #tpu.memory_space<hbm>>
        %dma_start3A_24 = arith.constant 0 : i32
        %dma_start3A_25 = tpu.memref_slice %arg4[%add3A_11, %dma_start3A_24] : memref<102400x64xf32, #tpu.memory_space<hbm>> -> memref<800x64xf32, #tpu.memory_space<hbm>>
        tpu.enqueue_dma source(%arg6 : memref<800x64xf32, #tpu.memory_space<vmem>>) target(%dma_start3A_25 : memref<800x64xf32, #tpu.memory_space<hbm>>) target_semaphore(%run_scoped3A : memref<!tpu.dma_semaphore, #tpu.memory_space<semaphore_mem>>)
        %dma_wait3A_26 = arith.constant 0 : i32
        %dma_wait3A_27 = tpu.memref_slice %arg4[%add3A_11, %dma_wait3A_26] : memref<102400x64xf32, #tpu.memory_space<hbm>> -> memref<800x64xf32, #tpu.memory_space<hbm>>
        %dma_wait3A_28 = arith.constant 0 : i32
        %dma_wait3A_29 = tpu.memref_slice %arg4[%add3A_11, %dma_wait3A_28] : memref<102400x64xf32, #tpu.memory_space<hbm>> -> memref<800x64xf32, #tpu.memory_space<hbm>>
        tpu.wait_dma2 semaphore(%run_scoped3A : memref<!tpu.dma_semaphore, #tpu.memory_space<semaphore_mem>>) src(%arg6 : memref<800x64xf32, #tpu.memory_space<vmem>>) dst(%dma_wait3A_29 : memref<800x64xf32, #tpu.memory_space<hbm>>)
        tpu.yield
      }) : () -> ()
    }
    %scan3A_7 = arith.constant 4 : i32
    return
  }
}

module attributes {stable_mosaic.version = 14 : i64} {
  func.func @_lstm_body(%arg0: i32, %arg1: memref<1x1024x64xf32, #tpu.memory_space<vmem>>, %arg2: memref<1x1024x1xi32, #tpu.memory_space<vmem>>, %arg3: memref<1024x64xf32, #tpu.memory_space<vmem>>, %arg4: memref<1024x64xf32, #tpu.memory_space<vmem>>, %arg5: memref<128x256xbf16, #tpu.memory_space<vmem>>, %arg6: memref<1x256xf32, #tpu.memory_space<vmem>>, %arg7: memref<64x64xf32, #tpu.memory_space<vmem>>, %arg8: memref<1x64xf32, #tpu.memory_space<vmem>>, %arg9: memref<64x1xf32, #tpu.memory_space<vmem>>, %arg10: memref<1x1xf32, #tpu.memory_space<vmem>>, %arg11: memref<1024x1xf32, #tpu.memory_space<vmem>>, %arg12: memref<1024x64xf32, #tpu.memory_space<vmem>>, %arg13: memref<1024x64xf32, #tpu.memory_space<vmem>>, %arg14: memref<1024x64xf32, #tpu.memory_space<vmem>>, %arg15: memref<1024x64xf32, #tpu.memory_space<vmem>>) attributes {dimension_semantics = [#tpu.dimension_semantics<arbitrary>], iteration_bounds = array<i64: 100>, scalar_prefetch = 0 : i64, scratch_operands = 2 : i64, tpu.core_type = #tpu.core_type<tc>, window_params = [{transform_indices = @transform_0, window_bounds = array<i64: 1, 1024, 64>}, {transform_indices = @transform_1, window_bounds = array<i64: 1, 1024, 1>}, {pipeline_mode = #tpu.pipeline_mode<synchronous>, transform_indices = @transform_2, window_bounds = array<i64: 1024, 64>}, {pipeline_mode = #tpu.pipeline_mode<synchronous>, transform_indices = @transform_3, window_bounds = array<i64: 1024, 64>}, {pipeline_mode = #tpu.pipeline_mode<synchronous>, transform_indices = @transform_4, window_bounds = array<i64: 128, 256>}, {pipeline_mode = #tpu.pipeline_mode<synchronous>, transform_indices = @transform_5, window_bounds = array<i64: 1, 256>}, {pipeline_mode = #tpu.pipeline_mode<synchronous>, transform_indices = @transform_6, window_bounds = array<i64: 64, 64>}, {pipeline_mode = #tpu.pipeline_mode<synchronous>, transform_indices = @transform_7, window_bounds = array<i64: 1, 64>}, {pipeline_mode = #tpu.pipeline_mode<synchronous>, transform_indices = @transform_8, window_bounds = array<i64: 64, 1>}, {pipeline_mode = #tpu.pipeline_mode<synchronous>, transform_indices = @transform_9, window_bounds = array<i64: 1, 1>}, {pipeline_mode = #tpu.pipeline_mode<synchronous>, transform_indices = @transform_10, window_bounds = array<i64: 1024, 1>}, {pipeline_mode = #tpu.pipeline_mode<synchronous>, transform_indices = @transform_11, window_bounds = array<i64: 1024, 64>}, {pipeline_mode = #tpu.pipeline_mode<synchronous>, transform_indices = @transform_12, window_bounds = array<i64: 1024, 64>}]} {
    %eq3A = arith.constant 0 : i32
    %eq3A_0 = arith.cmpi eq, %arg0, %eq3A : i32
    %convert_element_type3A = arith.extui %eq3A_0 : i1 to i32
    %cond3A = arith.constant 0 : i32
    %cond3A_1 = arith.cmpi ne, %convert_element_type3A, %cond3A : i32
    scf.if %cond3A_1 {
      %get3A_67 = arith.constant 0 : index
      %get3A_68 = arith.constant 0 : index
      %get3A_69 = vector.load %arg3[%get3A_67, %get3A_68] : memref<1024x64xf32, #tpu.memory_space<vmem>>, vector<1024x64xf32>
      %swap3A_70 = arith.constant 0 : index
      %swap3A_71 = arith.constant 0 : index
      %swap3A_72 = vector.load %arg14[%swap3A_70, %swap3A_71] : memref<1024x64xf32, #tpu.memory_space<vmem>>, vector<1024x64xf32>
      tpu.vector_store %arg14[%swap3A_70, %swap3A_71], %get3A_69 {strides = array<i32>} : memref<1024x64xf32, #tpu.memory_space<vmem>>, vector<1024x64xf32>,
      %get3A_73 = arith.constant 0 : index
      %get3A_74 = arith.constant 0 : index
      %get3A_75 = vector.load %arg4[%get3A_73, %get3A_74] : memref<1024x64xf32, #tpu.memory_space<vmem>>, vector<1024x64xf32>
      %swap3A_76 = arith.constant 0 : index
      %swap3A_77 = arith.constant 0 : index
      %swap3A_78 = vector.load %arg15[%swap3A_76, %swap3A_77] : memref<1024x64xf32, #tpu.memory_space<vmem>>, vector<1024x64xf32>
      tpu.vector_store %arg15[%swap3A_76, %swap3A_77], %get3A_75 {strides = array<i32>} : memref<1024x64xf32, #tpu.memory_space<vmem>>, vector<1024x64xf32>,
    } else {
    }
    %get3A = arith.constant 0 : index
    %get3A_2 = arith.constant 0 : index
    %get3A_3 = arith.constant 0 : index
    %get3A_4 = vector.load %arg1[%get3A, %get3A_2, %get3A_3] : memref<1x1024x64xf32, #tpu.memory_space<vmem>>, vector<1x1024x64xf32>
    %get3A_5 = vector.shape_cast %get3A_4 : vector<1x1024x64xf32> to vector<1024x64xf32>
    %convert_element_type3A_6 = arith.truncf %get3A_5 : vector<1024x64xf32> to vector<1024x64xbf16>
    %get3A_7 = arith.constant 0 : index
    %get3A_8 = arith.constant 0 : index
    %get3A_9 = arith.constant 0 : index
    %get3A_10 = vector.load %arg2[%get3A_7, %get3A_8, %get3A_9] : memref<1x1024x1xi32, #tpu.memory_space<vmem>>, vector<1x1024x1xi32>
    %get3A_11 = vector.shape_cast %get3A_10 : vector<1x1024x1xi32> to vector<1024x1xi32>
    %get3A_12 = arith.constant 0 : index
    %get3A_13 = arith.constant 0 : index
    %get3A_14 = vector.load %arg14[%get3A_12, %get3A_13] : memref<1024x64xf32, #tpu.memory_space<vmem>>, vector<1024x64xf32>
    %get3A_15 = arith.constant 0 : index
    %get3A_16 = arith.constant 0 : index
    %get3A_17 = vector.load %arg15[%get3A_15, %get3A_16] : memref<1024x64xf32, #tpu.memory_space<vmem>>, vector<1024x64xf32>
    %convert_element_type3A_18 = arith.truncf %get3A_14 : vector<1024x64xf32> to vector<1024x64xbf16>
    %concatenate3A = tpu.concatenate %convert_element_type3A_6, %convert_element_type3A_18 in 1 : vector<1024x64xbf16>, vector<1024x64xbf16> -> vector<1024x128xbf16>
    %get3A_19 = arith.constant 0 : index
    %get3A_20 = arith.constant 0 : index
    %get3A_21 = vector.load %arg5[%get3A_19, %get3A_20] : memref<128x256xbf16, #tpu.memory_space<vmem>>, vector<128x256xbf16>
    %dot_general3A = arith.constant dense<0.000000e+00> : vector<1024x256xf32>
    %dot_general3A_22 = tpu.matmul %concatenate3A, %get3A_21, %dot_general3A {dimension_numbers = #tpu.dot_dimension_numbers<[1], [0], [0], [1], [0, 0, 1, 1], [], []>, transpose_lhs_hint = false} : vector<1024x128xbf16>, vector<128x256xbf16>, vector<1024x256xf32> -> vector<1024x256xf32>
    %get3A_23 = arith.constant 0 : index
    %get3A_24 = arith.constant 0 : index
    %get3A_25 = vector.load %arg6[%get3A_23, %get3A_24] : memref<1x256xf32, #tpu.memory_space<vmem>>, vector<1x256xf32>
    %add3A = vector.broadcast %get3A_25 : vector<1x256xf32> to vector<1024x256xf32>
    %add3A_26 = arith.addf %dot_general3A_22, %add3A : vector<1024x256xf32>
    %slice3A = vector.extract_strided_slice %add3A_26 {offsets = [0, 0], sizes = [1024, 64], strides = [1, 1]} : vector<1024x256xf32> to vector<1024x64xf32>
    %logistic3A = arith.negf %slice3A : vector<1024x64xf32>
    %logistic3A_27 = math.exp %logistic3A : vector<1024x64xf32>
    %logistic3A_28 = arith.constant 1.000000e+00 : f32
    %logistic3A_29 = vector.broadcast %logistic3A_28 : f32 to vector<1024x64xf32>
    %logistic3A_30 = arith.addf %logistic3A_29, %logistic3A_27 : vector<1024x64xf32>
    %logistic3A_31 = arith.divf %logistic3A_29, %logistic3A_30 : vector<1024x64xf32>
    %slice3A_32 = vector.extract_strided_slice %add3A_26 {offsets = [0, 64], sizes = [1024, 64], strides = [1, 1]} : vector<1024x256xf32> to vector<1024x64xf32>
    %logistic3A_33 = arith.negf %slice3A_32 : vector<1024x64xf32>
    %logistic3A_34 = math.exp %logistic3A_33 : vector<1024x64xf32>
    %logistic3A_35 = arith.constant 1.000000e+00 : f32
    %logistic3A_36 = vector.broadcast %logistic3A_35 : f32 to vector<1024x64xf32>
    %logistic3A_37 = arith.addf %logistic3A_36, %logistic3A_34 : vector<1024x64xf32>
    %logistic3A_38 = arith.divf %logistic3A_36, %logistic3A_37 : vector<1024x64xf32>
    %slice3A_39 = vector.extract_strided_slice %add3A_26 {offsets = [0, 128], sizes = [1024, 64], strides = [1, 1]} : vector<1024x256xf32> to vector<1024x64xf32>
    %tanh3A = math.tanh %slice3A_39 : vector<1024x64xf32>
    %slice3A_40 = vector.extract_strided_slice %add3A_26 {offsets = [0, 192], sizes = [1024, 64], strides = [1, 1]} : vector<1024x256xf32> to vector<1024x64xf32>
    %logistic3A_41 = arith.negf %slice3A_40 : vector<1024x64xf32>
    %logistic3A_42 = math.exp %logistic3A_41 : vector<1024x64xf32>
    %logistic3A_43 = arith.constant 1.000000e+00 : f32
    %logistic3A_44 = vector.broadcast %logistic3A_43 : f32 to vector<1024x64xf32>
    %logistic3A_45 = arith.addf %logistic3A_44, %logistic3A_42 : vector<1024x64xf32>
    %logistic3A_46 = arith.divf %logistic3A_44, %logistic3A_45 : vector<1024x64xf32>
    %mul3A = arith.mulf %logistic3A_38, %get3A_17 : vector<1024x64xf32>
    %mul3A_47 = arith.mulf %logistic3A_31, %tanh3A : vector<1024x64xf32>
    %add3A_48 = arith.addf %mul3A, %mul3A_47 : vector<1024x64xf32>
    %tanh3A_49 = math.tanh %add3A_48 : vector<1024x64xf32>
    %mul3A_50 = arith.mulf %logistic3A_46, %tanh3A_49 : vector<1024x64xf32>
    %ne3A = arith.constant 0 : i32
    %ne3A_51 = vector.broadcast %ne3A : i32 to vector<1024x1xi32>
    %ne3A_52 = arith.cmpi ne, %get3A_11, %ne3A_51 : vector<1024x1xi32>
    %broadcast_in_dim3A = vector.shape_cast %ne3A_52 : vector<1024x1xi1> to vector<1024x1xi1>
    %broadcast_in_dim3A_53 = vector.broadcast %broadcast_in_dim3A : vector<1024x1xi1> to vector<1024x64xi1>
    %select_n3A = arith.select %broadcast_in_dim3A_53, %mul3A_50, %get3A_14 : vector<1024x64xi1>, vector<1024x64xf32>
    %swap3A = arith.constant 0 : index
    %swap3A_54 = arith.constant 0 : index
    %swap3A_55 = vector.load %arg14[%swap3A, %swap3A_54] : memref<1024x64xf32, #tpu.memory_space<vmem>>, vector<1024x64xf32>
    tpu.vector_store %arg14[%swap3A, %swap3A_54], %select_n3A {strides = array<i32>} : memref<1024x64xf32, #tpu.memory_space<vmem>>, vector<1024x64xf32>,
    %broadcast_in_dim3A_56 = vector.shape_cast %ne3A_52 : vector<1024x1xi1> to vector<1024x1xi1>
    %broadcast_in_dim3A_57 = vector.broadcast %broadcast_in_dim3A_56 : vector<1024x1xi1> to vector<1024x64xi1>
    %select_n3A_58 = arith.select %broadcast_in_dim3A_57, %add3A_48, %get3A_17 : vector<1024x64xi1>, vector<1024x64xf32>
    %swap3A_59 = arith.constant 0 : index
    %swap3A_60 = arith.constant 0 : index
    %swap3A_61 = vector.load %arg15[%swap3A_59, %swap3A_60] : memref<1024x64xf32, #tpu.memory_space<vmem>>, vector<1024x64xf32>
    tpu.vector_store %arg15[%swap3A_59, %swap3A_60], %select_n3A_58 {strides = array<i32>} : memref<1024x64xf32, #tpu.memory_space<vmem>>, vector<1024x64xf32>,
    %eq3A_62 = arith.constant 99 : i32
    %eq3A_63 = arith.cmpi eq, %arg0, %eq3A_62 : i32
    %convert_element_type3A_64 = arith.extui %eq3A_63 : i1 to i32
    %cond3A_65 = arith.constant 0 : i32
    %cond3A_66 = arith.cmpi ne, %convert_element_type3A_64, %cond3A_65 : i32
    scf.if %cond3A_66 {
      %get3A_67 = arith.constant 0 : index
      %get3A_68 = arith.constant 0 : index
      %get3A_69 = vector.load %arg14[%get3A_67, %get3A_68] : memref<1024x64xf32, #tpu.memory_space<vmem>>, vector<1024x64xf32>
      %swap3A_70 = arith.constant 0 : index
      %swap3A_71 = arith.constant 0 : index
      %swap3A_72 = vector.load %arg12[%swap3A_70, %swap3A_71] : memref<1024x64xf32, #tpu.memory_space<vmem>>, vector<1024x64xf32>
      tpu.vector_store %arg12[%swap3A_70, %swap3A_71], %get3A_69 {strides = array<i32>} : memref<1024x64xf32, #tpu.memory_space<vmem>>, vector<1024x64xf32>,
      %get3A_73 = arith.constant 0 : index
      %get3A_74 = arith.constant 0 : index
      %get3A_75 = vector.load %arg15[%get3A_73, %get3A_74] : memref<1024x64xf32, #tpu.memory_space<vmem>>, vector<1024x64xf32>
      %swap3A_76 = arith.constant 0 : index
      %swap3A_77 = arith.constant 0 : index
      %swap3A_78 = vector.load %arg13[%swap3A_76, %swap3A_77] : memref<1024x64xf32, #tpu.memory_space<vmem>>, vector<1024x64xf32>
      tpu.vector_store %arg13[%swap3A_76, %swap3A_77], %get3A_75 {strides = array<i32>} : memref<1024x64xf32, #tpu.memory_space<vmem>>, vector<1024x64xf32>,
      %get3A_79 = arith.constant 0 : index
      %get3A_80 = arith.constant 0 : index
      %get3A_81 = vector.load %arg14[%get3A_79, %get3A_80] : memref<1024x64xf32, #tpu.memory_space<vmem>>, vector<1024x64xf32>
      %get3A_82 = arith.constant 0 : index
      %get3A_83 = arith.constant 0 : index
      %get3A_84 = vector.load %arg7[%get3A_82, %get3A_83] : memref<64x64xf32, #tpu.memory_space<vmem>>, vector<64x64xf32>
      %dot_general3A_85 = arith.constant dense<0.000000e+00> : vector<1024x64xf32>
      %dot_general3A_86 = tpu.matmul %get3A_81, %get3A_84, %dot_general3A_85 {dimension_numbers = #tpu.dot_dimension_numbers<[1], [0], [0], [1], [0, 0, 1, 1], [], []>, transpose_lhs_hint = false} : vector<1024x64xf32>, vector<64x64xf32>, vector<1024x64xf32> -> vector<1024x64xf32>
      %get3A_87 = arith.constant 0 : index
      %get3A_88 = arith.constant 0 : index
      %get3A_89 = vector.load %arg8[%get3A_87, %get3A_88] : memref<1x64xf32, #tpu.memory_space<vmem>>, vector<1x64xf32>
      %add3A_90 = vector.broadcast %get3A_89 : vector<1x64xf32> to vector<1024x64xf32>
      %add3A_91 = arith.addf %dot_general3A_86, %add3A_90 : vector<1024x64xf32>
      %max3A = arith.constant 0.000000e+00 : f32
      %max3A_92 = vector.broadcast %max3A : f32 to vector<1024x64xf32>
      %max3A_93 = arith.maximumf %add3A_91, %max3A_92 : vector<1024x64xf32>
      %get3A_94 = arith.constant 0 : index
      %get3A_95 = arith.constant 0 : index
      %get3A_96 = vector.load %arg9[%get3A_94, %get3A_95] : memref<64x1xf32, #tpu.memory_space<vmem>>, vector<64x1xf32>
      %dot_general3A_97 = arith.constant dense<0.000000e+00> : vector<1024x1xf32>
      %dot_general3A_98 = tpu.matmul %max3A_93, %get3A_96, %dot_general3A_97 {dimension_numbers = #tpu.dot_dimension_numbers<[1], [0], [0], [1], [0, 0, 1, 1], [], []>, transpose_lhs_hint = false} : vector<1024x64xf32>, vector<64x1xf32>, vector<1024x1xf32> -> vector<1024x1xf32>
      %get3A_99 = arith.constant 0 : index
      %get3A_100 = arith.constant 0 : index
      %get3A_101 = vector.load %arg10[%get3A_99, %get3A_100] : memref<1x1xf32, #tpu.memory_space<vmem>>, vector<1x1xf32>
      %add3A_102 = vector.broadcast %get3A_101 : vector<1x1xf32> to vector<1024x1xf32>
      %add3A_103 = arith.addf %dot_general3A_98, %add3A_102 : vector<1024x1xf32>
      %logistic3A_104 = arith.negf %add3A_103 : vector<1024x1xf32>
      %logistic3A_105 = math.exp %logistic3A_104 : vector<1024x1xf32>
      %logistic3A_106 = arith.constant 1.000000e+00 : f32
      %logistic3A_107 = vector.broadcast %logistic3A_106 : f32 to vector<1024x1xf32>
      %logistic3A_108 = arith.addf %logistic3A_107, %logistic3A_105 : vector<1024x1xf32>
      %logistic3A_109 = arith.divf %logistic3A_107, %logistic3A_108 : vector<1024x1xf32>
      %swap3A_110 = arith.constant 0 : index
      %swap3A_111 = arith.constant 0 : index
      %swap3A_112 = vector.load %arg11[%swap3A_110, %swap3A_111] : memref<1024x1xf32, #tpu.memory_space<vmem>>, vector<1024x1xf32>
      tpu.vector_store %arg11[%swap3A_110, %swap3A_111], %logistic3A_109 {strides = array<i32>} : memref<1024x1xf32, #tpu.memory_space<vmem>>, vector<1024x1xf32>,
    } else {
    }
    return
  }
  func.func @transform_0(%arg0: i32) -> (i32, i32, i32) {
    %c0_i32 = arith.constant 0 : i32
    %c0_i32_0 = arith.constant 0 : i32
    %c0_i32_1 = arith.constant 0 : i32
    return %arg0, %c0_i32, %c0_i32_0 : i32, i32, i32
  }
  func.func @transform_1(%arg0: i32) -> (i32, i32, i32) {
    %c0_i32 = arith.constant 0 : i32
    %c0_i32_0 = arith.constant 0 : i32
    %c0_i32_1 = arith.constant 0 : i32
    return %arg0, %c0_i32, %c0_i32_0 : i32, i32, i32
  }
  func.func @transform_2(%arg0: i32) -> (i32, i32) {
    %c0_i32 = arith.constant 0 : i32
    %c0_i32_0 = arith.constant 0 : i32
    %c0_i32_1 = arith.constant 0 : i32
    return %c0_i32, %c0_i32_0 : i32, i32
  }
  func.func @transform_3(%arg0: i32) -> (i32, i32) {
    %c0_i32 = arith.constant 0 : i32
    %c0_i32_0 = arith.constant 0 : i32
    %c0_i32_1 = arith.constant 0 : i32
    return %c0_i32, %c0_i32_0 : i32, i32
  }
  func.func @transform_4(%arg0: i32) -> (i32, i32) {
    %c0_i32 = arith.constant 0 : i32
    %c0_i32_0 = arith.constant 0 : i32
    %c0_i32_1 = arith.constant 0 : i32
    return %c0_i32, %c0_i32_0 : i32, i32
  }
  func.func @transform_5(%arg0: i32) -> (i32, i32) {
    %c0_i32 = arith.constant 0 : i32
    %c0_i32_0 = arith.constant 0 : i32
    %c0_i32_1 = arith.constant 0 : i32
    return %c0_i32, %c0_i32_0 : i32, i32
  }
  func.func @transform_6(%arg0: i32) -> (i32, i32) {
    %c0_i32 = arith.constant 0 : i32
    %c0_i32_0 = arith.constant 0 : i32
    %c0_i32_1 = arith.constant 0 : i32
    return %c0_i32, %c0_i32_0 : i32, i32
  }
  func.func @transform_7(%arg0: i32) -> (i32, i32) {
    %c0_i32 = arith.constant 0 : i32
    %c0_i32_0 = arith.constant 0 : i32
    %c0_i32_1 = arith.constant 0 : i32
    return %c0_i32, %c0_i32_0 : i32, i32
  }
  func.func @transform_8(%arg0: i32) -> (i32, i32) {
    %c0_i32 = arith.constant 0 : i32
    %c0_i32_0 = arith.constant 0 : i32
    %c0_i32_1 = arith.constant 0 : i32
    return %c0_i32, %c0_i32_0 : i32, i32
  }
  func.func @transform_9(%arg0: i32) -> (i32, i32) {
    %c0_i32 = arith.constant 0 : i32
    %c0_i32_0 = arith.constant 0 : i32
    %c0_i32_1 = arith.constant 0 : i32
    return %c0_i32, %c0_i32_0 : i32, i32
  }
  func.func @transform_10(%arg0: i32) -> (i32, i32) {
    %c0_i32 = arith.constant 0 : i32
    %c0_i32_0 = arith.constant 0 : i32
    %c0_i32_1 = arith.constant 0 : i32
    return %c0_i32, %c0_i32_0 : i32, i32
  }
  func.func @transform_11(%arg0: i32) -> (i32, i32) {
    %c0_i32 = arith.constant 0 : i32
    %c0_i32_0 = arith.constant 0 : i32
    %c0_i32_1 = arith.constant 0 : i32
    return %c0_i32, %c0_i32_0 : i32, i32
  }
  func.func @transform_12(%arg0: i32) -> (i32, i32) {
    %c0_i32 = arith.constant 0 : i32
    %c0_i32_0 = arith.constant 0 : i32
    %c0_i32_1 = arith.constant 0 : i32
    return %c0_i32, %c0_i32_0 : i32, i32
  }
}

module attributes {stable_mosaic.version = 14 : i64} {
  func.func @_lstm_body(%arg0: i32, %arg1: memref<1x1024x64xf32, #tpu.memory_space<vmem>>, %arg2: memref<1x1024x1xi32, #tpu.memory_space<vmem>>, %arg3: memref<1024x64xf32, #tpu.memory_space<vmem>>, %arg4: memref<1024x64xf32, #tpu.memory_space<vmem>>, %arg5: memref<128x256xbf16, #tpu.memory_space<vmem>>, %arg6: memref<1x256xf32, #tpu.memory_space<vmem>>, %arg7: memref<64x64xf32, #tpu.memory_space<vmem>>, %arg8: memref<1x64xf32, #tpu.memory_space<vmem>>, %arg9: memref<64x1xf32, #tpu.memory_space<vmem>>, %arg10: memref<1x1xf32, #tpu.memory_space<vmem>>, %arg11: memref<1024x1xf32, #tpu.memory_space<vmem>>, %arg12: memref<1024x64xf32, #tpu.memory_space<vmem>>, %arg13: memref<1024x64xf32, #tpu.memory_space<vmem>>, %arg14: memref<1024x64xf32, #tpu.memory_space<vmem>>, %arg15: memref<1024x64xf32, #tpu.memory_space<vmem>>) attributes {dimension_semantics = [#tpu.dimension_semantics<arbitrary>], iteration_bounds = array<i64: 100>, scalar_prefetch = 0 : i64, scratch_operands = 2 : i64, tpu.core_type = #tpu.core_type<tc>, window_params = [{transform_indices = @transform_0, window_bounds = array<i64: 1, 1024, 64>}, {transform_indices = @transform_1, window_bounds = array<i64: 1, 1024, 1>}, {pipeline_mode = #tpu.pipeline_mode<synchronous>, transform_indices = @transform_2, window_bounds = array<i64: 1024, 64>}, {pipeline_mode = #tpu.pipeline_mode<synchronous>, transform_indices = @transform_3, window_bounds = array<i64: 1024, 64>}, {pipeline_mode = #tpu.pipeline_mode<synchronous>, transform_indices = @transform_4, window_bounds = array<i64: 128, 256>}, {pipeline_mode = #tpu.pipeline_mode<synchronous>, transform_indices = @transform_5, window_bounds = array<i64: 1, 256>}, {pipeline_mode = #tpu.pipeline_mode<synchronous>, transform_indices = @transform_6, window_bounds = array<i64: 64, 64>}, {pipeline_mode = #tpu.pipeline_mode<synchronous>, transform_indices = @transform_7, window_bounds = array<i64: 1, 64>}, {pipeline_mode = #tpu.pipeline_mode<synchronous>, transform_indices = @transform_8, window_bounds = array<i64: 64, 1>}, {pipeline_mode = #tpu.pipeline_mode<synchronous>, transform_indices = @transform_9, window_bounds = array<i64: 1, 1>}, {pipeline_mode = #tpu.pipeline_mode<synchronous>, transform_indices = @transform_10, window_bounds = array<i64: 1024, 1>}, {pipeline_mode = #tpu.pipeline_mode<synchronous>, transform_indices = @transform_11, window_bounds = array<i64: 1024, 64>}, {pipeline_mode = #tpu.pipeline_mode<synchronous>, transform_indices = @transform_12, window_bounds = array<i64: 1024, 64>}]} {
    %eq3A = arith.constant 0 : i32
    %eq3A_0 = arith.cmpi eq, %arg0, %eq3A : i32
    %convert_element_type3A = arith.extui %eq3A_0 : i1 to i32
    %cond3A = arith.constant 0 : i32
    %cond3A_1 = arith.cmpi ne, %convert_element_type3A, %cond3A : i32
    scf.if %cond3A_1 {
      %get3A_67 = arith.constant 0 : index
      %get3A_68 = arith.constant 0 : index
      %get3A_69 = vector.load %arg3[%get3A_67, %get3A_68] : memref<1024x64xf32, #tpu.memory_space<vmem>>, vector<1024x64xf32>
      %swap3A_70 = arith.constant 0 : index
      %swap3A_71 = arith.constant 0 : index
      %swap3A_72 = vector.load %arg14[%swap3A_70, %swap3A_71] : memref<1024x64xf32, #tpu.memory_space<vmem>>, vector<1024x64xf32>
      tpu.vector_store %arg14[%swap3A_70, %swap3A_71], %get3A_69 {strides = array<i32>} : memref<1024x64xf32, #tpu.memory_space<vmem>>, vector<1024x64xf32>,
      %get3A_73 = arith.constant 0 : index
      %get3A_74 = arith.constant 0 : index
      %get3A_75 = vector.load %arg4[%get3A_73, %get3A_74] : memref<1024x64xf32, #tpu.memory_space<vmem>>, vector<1024x64xf32>
      %swap3A_76 = arith.constant 0 : index
      %swap3A_77 = arith.constant 0 : index
      %swap3A_78 = vector.load %arg15[%swap3A_76, %swap3A_77] : memref<1024x64xf32, #tpu.memory_space<vmem>>, vector<1024x64xf32>
      tpu.vector_store %arg15[%swap3A_76, %swap3A_77], %get3A_75 {strides = array<i32>} : memref<1024x64xf32, #tpu.memory_space<vmem>>, vector<1024x64xf32>,
    } else {
    }
    %get3A = arith.constant 0 : index
    %get3A_2 = arith.constant 0 : index
    %get3A_3 = arith.constant 0 : index
    %get3A_4 = vector.load %arg1[%get3A, %get3A_2, %get3A_3] : memref<1x1024x64xf32, #tpu.memory_space<vmem>>, vector<1x1024x64xf32>
    %get3A_5 = vector.shape_cast %get3A_4 : vector<1x1024x64xf32> to vector<1024x64xf32>
    %convert_element_type3A_6 = arith.truncf %get3A_5 : vector<1024x64xf32> to vector<1024x64xbf16>
    %get3A_7 = arith.constant 0 : index
    %get3A_8 = arith.constant 0 : index
    %get3A_9 = arith.constant 0 : index
    %get3A_10 = vector.load %arg2[%get3A_7, %get3A_8, %get3A_9] : memref<1x1024x1xi32, #tpu.memory_space<vmem>>, vector<1x1024x1xi32>
    %get3A_11 = vector.shape_cast %get3A_10 : vector<1x1024x1xi32> to vector<1024x1xi32>
    %get3A_12 = arith.constant 0 : index
    %get3A_13 = arith.constant 0 : index
    %get3A_14 = vector.load %arg14[%get3A_12, %get3A_13] : memref<1024x64xf32, #tpu.memory_space<vmem>>, vector<1024x64xf32>
    %get3A_15 = arith.constant 0 : index
    %get3A_16 = arith.constant 0 : index
    %get3A_17 = vector.load %arg15[%get3A_15, %get3A_16] : memref<1024x64xf32, #tpu.memory_space<vmem>>, vector<1024x64xf32>
    %convert_element_type3A_18 = arith.truncf %get3A_14 : vector<1024x64xf32> to vector<1024x64xbf16>
    %concatenate3A = tpu.concatenate %convert_element_type3A_6, %convert_element_type3A_18 in 1 : vector<1024x64xbf16>, vector<1024x64xbf16> -> vector<1024x128xbf16>
    %get3A_19 = arith.constant 0 : index
    %get3A_20 = arith.constant 0 : index
    %get3A_21 = vector.load %arg5[%get3A_19, %get3A_20] : memref<128x256xbf16, #tpu.memory_space<vmem>>, vector<128x256xbf16>
    %dot_general3A = arith.constant dense<0.000000e+00> : vector<1024x256xf32>
    %dot_general3A_22 = tpu.matmul %concatenate3A, %get3A_21, %dot_general3A {dimension_numbers = #tpu.dot_dimension_numbers<[1], [0], [0], [1], [0, 0, 1, 1], [], []>, transpose_lhs_hint = false} : vector<1024x128xbf16>, vector<128x256xbf16>, vector<1024x256xf32> -> vector<1024x256xf32>
    %get3A_23 = arith.constant 0 : index
    %get3A_24 = arith.constant 0 : index
    %get3A_25 = vector.load %arg6[%get3A_23, %get3A_24] : memref<1x256xf32, #tpu.memory_space<vmem>>, vector<1x256xf32>
    %add3A = vector.broadcast %get3A_25 : vector<1x256xf32> to vector<1024x256xf32>
    %add3A_26 = arith.addf %dot_general3A_22, %add3A : vector<1024x256xf32>
    %slice3A = vector.extract_strided_slice %add3A_26 {offsets = [0, 0], sizes = [1024, 64], strides = [1, 1]} : vector<1024x256xf32> to vector<1024x64xf32>
    %logistic3A = arith.negf %slice3A : vector<1024x64xf32>
    %logistic3A_27 = math.exp %logistic3A : vector<1024x64xf32>
    %logistic3A_28 = arith.constant 1.000000e+00 : f32
    %logistic3A_29 = vector.broadcast %logistic3A_28 : f32 to vector<1024x64xf32>
    %logistic3A_30 = arith.addf %logistic3A_29, %logistic3A_27 : vector<1024x64xf32>
    %logistic3A_31 = arith.divf %logistic3A_29, %logistic3A_30 : vector<1024x64xf32>
    %slice3A_32 = vector.extract_strided_slice %add3A_26 {offsets = [0, 64], sizes = [1024, 64], strides = [1, 1]} : vector<1024x256xf32> to vector<1024x64xf32>
    %logistic3A_33 = arith.negf %slice3A_32 : vector<1024x64xf32>
    %logistic3A_34 = math.exp %logistic3A_33 : vector<1024x64xf32>
    %logistic3A_35 = arith.constant 1.000000e+00 : f32
    %logistic3A_36 = vector.broadcast %logistic3A_35 : f32 to vector<1024x64xf32>
    %logistic3A_37 = arith.addf %logistic3A_36, %logistic3A_34 : vector<1024x64xf32>
    %logistic3A_38 = arith.divf %logistic3A_36, %logistic3A_37 : vector<1024x64xf32>
    %slice3A_39 = vector.extract_strided_slice %add3A_26 {offsets = [0, 128], sizes = [1024, 64], strides = [1, 1]} : vector<1024x256xf32> to vector<1024x64xf32>
    %tanh3A = math.tanh %slice3A_39 : vector<1024x64xf32>
    %slice3A_40 = vector.extract_strided_slice %add3A_26 {offsets = [0, 192], sizes = [1024, 64], strides = [1, 1]} : vector<1024x256xf32> to vector<1024x64xf32>
    %logistic3A_41 = arith.negf %slice3A_40 : vector<1024x64xf32>
    %logistic3A_42 = math.exp %logistic3A_41 : vector<1024x64xf32>
    %logistic3A_43 = arith.constant 1.000000e+00 : f32
    %logistic3A_44 = vector.broadcast %logistic3A_43 : f32 to vector<1024x64xf32>
    %logistic3A_45 = arith.addf %logistic3A_44, %logistic3A_42 : vector<1024x64xf32>
    %logistic3A_46 = arith.divf %logistic3A_44, %logistic3A_45 : vector<1024x64xf32>
    %mul3A = arith.mulf %logistic3A_38, %get3A_17 : vector<1024x64xf32>
    %mul3A_47 = arith.mulf %logistic3A_31, %tanh3A : vector<1024x64xf32>
    %add3A_48 = arith.addf %mul3A, %mul3A_47 : vector<1024x64xf32>
    %tanh3A_49 = math.tanh %add3A_48 : vector<1024x64xf32>
    %mul3A_50 = arith.mulf %logistic3A_46, %tanh3A_49 : vector<1024x64xf32>
    %ne3A = arith.constant 0 : i32
    %ne3A_51 = vector.broadcast %ne3A : i32 to vector<1024x1xi32>
    %ne3A_52 = arith.cmpi ne, %get3A_11, %ne3A_51 : vector<1024x1xi32>
    %broadcast_in_dim3A = vector.shape_cast %ne3A_52 : vector<1024x1xi1> to vector<1024x1xi1>
    %broadcast_in_dim3A_53 = vector.broadcast %broadcast_in_dim3A : vector<1024x1xi1> to vector<1024x64xi1>
    %select_n3A = arith.select %broadcast_in_dim3A_53, %mul3A_50, %get3A_14 : vector<1024x64xi1>, vector<1024x64xf32>
    %swap3A = arith.constant 0 : index
    %swap3A_54 = arith.constant 0 : index
    %swap3A_55 = vector.load %arg14[%swap3A, %swap3A_54] : memref<1024x64xf32, #tpu.memory_space<vmem>>, vector<1024x64xf32>
    tpu.vector_store %arg14[%swap3A, %swap3A_54], %select_n3A {strides = array<i32>} : memref<1024x64xf32, #tpu.memory_space<vmem>>, vector<1024x64xf32>,
    %broadcast_in_dim3A_56 = vector.shape_cast %ne3A_52 : vector<1024x1xi1> to vector<1024x1xi1>
    %broadcast_in_dim3A_57 = vector.broadcast %broadcast_in_dim3A_56 : vector<1024x1xi1> to vector<1024x64xi1>
    %select_n3A_58 = arith.select %broadcast_in_dim3A_57, %add3A_48, %get3A_17 : vector<1024x64xi1>, vector<1024x64xf32>
    %swap3A_59 = arith.constant 0 : index
    %swap3A_60 = arith.constant 0 : index
    %swap3A_61 = vector.load %arg15[%swap3A_59, %swap3A_60] : memref<1024x64xf32, #tpu.memory_space<vmem>>, vector<1024x64xf32>
    tpu.vector_store %arg15[%swap3A_59, %swap3A_60], %select_n3A_58 {strides = array<i32>} : memref<1024x64xf32, #tpu.memory_space<vmem>>, vector<1024x64xf32>,
    %eq3A_62 = arith.constant 99 : i32
    %eq3A_63 = arith.cmpi eq, %arg0, %eq3A_62 : i32
    %convert_element_type3A_64 = arith.extui %eq3A_63 : i1 to i32
    %cond3A_65 = arith.constant 0 : i32
    %cond3A_66 = arith.cmpi ne, %convert_element_type3A_64, %cond3A_65 : i32
    scf.if %cond3A_66 {
      %get3A_67 = arith.constant 0 : index
      %get3A_68 = arith.constant 0 : index
      %get3A_69 = vector.load %arg14[%get3A_67, %get3A_68] : memref<1024x64xf32, #tpu.memory_space<vmem>>, vector<1024x64xf32>
      %swap3A_70 = arith.constant 0 : index
      %swap3A_71 = arith.constant 0 : index
      %swap3A_72 = vector.load %arg12[%swap3A_70, %swap3A_71] : memref<1024x64xf32, #tpu.memory_space<vmem>>, vector<1024x64xf32>
      tpu.vector_store %arg12[%swap3A_70, %swap3A_71], %get3A_69 {strides = array<i32>} : memref<1024x64xf32, #tpu.memory_space<vmem>>, vector<1024x64xf32>,
      %get3A_73 = arith.constant 0 : index
      %get3A_74 = arith.constant 0 : index
      %get3A_75 = vector.load %arg15[%get3A_73, %get3A_74] : memref<1024x64xf32, #tpu.memory_space<vmem>>, vector<1024x64xf32>
      %swap3A_76 = arith.constant 0 : index
      %swap3A_77 = arith.constant 0 : index
      %swap3A_78 = vector.load %arg13[%swap3A_76, %swap3A_77] : memref<1024x64xf32, #tpu.memory_space<vmem>>, vector<1024x64xf32>
      tpu.vector_store %arg13[%swap3A_76, %swap3A_77], %get3A_75 {strides = array<i32>} : memref<1024x64xf32, #tpu.memory_space<vmem>>, vector<1024x64xf32>,
      %get3A_79 = arith.constant 0 : index
      %get3A_80 = arith.constant 0 : index
      %get3A_81 = vector.load %arg14[%get3A_79, %get3A_80] : memref<1024x64xf32, #tpu.memory_space<vmem>>, vector<1024x64xf32>
      %get3A_82 = arith.constant 0 : index
      %get3A_83 = arith.constant 0 : index
      %get3A_84 = vector.load %arg7[%get3A_82, %get3A_83] : memref<64x64xf32, #tpu.memory_space<vmem>>, vector<64x64xf32>
      %dot_general3A_85 = arith.constant dense<0.000000e+00> : vector<1024x64xf32>
      %dot_general3A_86 = tpu.matmul %get3A_81, %get3A_84, %dot_general3A_85 {dimension_numbers = #tpu.dot_dimension_numbers<[1], [0], [0], [1], [0, 0, 1, 1], [], []>, transpose_lhs_hint = false} : vector<1024x64xf32>, vector<64x64xf32>, vector<1024x64xf32> -> vector<1024x64xf32>
      %get3A_87 = arith.constant 0 : index
      %get3A_88 = arith.constant 0 : index
      %get3A_89 = vector.load %arg8[%get3A_87, %get3A_88] : memref<1x64xf32, #tpu.memory_space<vmem>>, vector<1x64xf32>
      %add3A_90 = vector.broadcast %get3A_89 : vector<1x64xf32> to vector<1024x64xf32>
      %add3A_91 = arith.addf %dot_general3A_86, %add3A_90 : vector<1024x64xf32>
      %max3A = arith.constant 0.000000e+00 : f32
      %max3A_92 = vector.broadcast %max3A : f32 to vector<1024x64xf32>
      %max3A_93 = arith.maximumf %add3A_91, %max3A_92 : vector<1024x64xf32>
      %get3A_94 = arith.constant 0 : index
      %get3A_95 = arith.constant 0 : index
      %get3A_96 = vector.load %arg9[%get3A_94, %get3A_95] : memref<64x1xf32, #tpu.memory_space<vmem>>, vector<64x1xf32>
      %dot_general3A_97 = arith.constant dense<0.000000e+00> : vector<1024x1xf32>
      %dot_general3A_98 = tpu.matmul %max3A_93, %get3A_96, %dot_general3A_97 {dimension_numbers = #tpu.dot_dimension_numbers<[1], [0], [0], [1], [0, 0, 1, 1], [], []>, transpose_lhs_hint = false} : vector<1024x64xf32>, vector<64x1xf32>, vector<1024x1xf32> -> vector<1024x1xf32>
      %get3A_99 = arith.constant 0 : index
      %get3A_100 = arith.constant 0 : index
      %get3A_101 = vector.load %arg10[%get3A_99, %get3A_100] : memref<1x1xf32, #tpu.memory_space<vmem>>, vector<1x1xf32>
      %add3A_102 = vector.broadcast %get3A_101 : vector<1x1xf32> to vector<1024x1xf32>
      %add3A_103 = arith.addf %dot_general3A_98, %add3A_102 : vector<1024x1xf32>
      %logistic3A_104 = arith.negf %add3A_103 : vector<1024x1xf32>
      %logistic3A_105 = math.exp %logistic3A_104 : vector<1024x1xf32>
      %logistic3A_106 = arith.constant 1.000000e+00 : f32
      %logistic3A_107 = vector.broadcast %logistic3A_106 : f32 to vector<1024x1xf32>
      %logistic3A_108 = arith.addf %logistic3A_107, %logistic3A_105 : vector<1024x1xf32>
      %logistic3A_109 = arith.divf %logistic3A_107, %logistic3A_108 : vector<1024x1xf32>
      %swap3A_110 = arith.constant 0 : index
      %swap3A_111 = arith.constant 0 : index
      %swap3A_112 = vector.load %arg11[%swap3A_110, %swap3A_111] : memref<1024x1xf32, #tpu.memory_space<vmem>>, vector<1024x1xf32>
      tpu.vector_store %arg11[%swap3A_110, %swap3A_111], %logistic3A_109 {strides = array<i32>} : memref<1024x1xf32, #tpu.memory_space<vmem>>, vector<1024x1xf32>,
    } else {
    }
    return
  }
  func.func @transform_0(%arg0: i32) -> (i32, i32, i32) {
    %c0_i32 = arith.constant 0 : i32
    %c0_i32_0 = arith.constant 0 : i32
    %c0_i32_1 = arith.constant 0 : i32
    return %arg0, %c0_i32, %c0_i32_0 : i32, i32, i32
  }
  func.func @transform_1(%arg0: i32) -> (i32, i32, i32) {
    %c0_i32 = arith.constant 0 : i32
    %c0_i32_0 = arith.constant 0 : i32
    %c0_i32_1 = arith.constant 0 : i32
    return %arg0, %c0_i32, %c0_i32_0 : i32, i32, i32
  }
  func.func @transform_2(%arg0: i32) -> (i32, i32) {
    %c0_i32 = arith.constant 0 : i32
    %c0_i32_0 = arith.constant 0 : i32
    %c0_i32_1 = arith.constant 0 : i32
    return %c0_i32, %c0_i32_0 : i32, i32
  }
  func.func @transform_3(%arg0: i32) -> (i32, i32) {
    %c0_i32 = arith.constant 0 : i32
    %c0_i32_0 = arith.constant 0 : i32
    %c0_i32_1 = arith.constant 0 : i32
    return %c0_i32, %c0_i32_0 : i32, i32
  }
  func.func @transform_4(%arg0: i32) -> (i32, i32) {
    %c0_i32 = arith.constant 0 : i32
    %c0_i32_0 = arith.constant 0 : i32
    %c0_i32_1 = arith.constant 0 : i32
    return %c0_i32, %c0_i32_0 : i32, i32
  }
  func.func @transform_5(%arg0: i32) -> (i32, i32) {
    %c0_i32 = arith.constant 0 : i32
    %c0_i32_0 = arith.constant 0 : i32
    %c0_i32_1 = arith.constant 0 : i32
    return %c0_i32, %c0_i32_0 : i32, i32
  }
  func.func @transform_6(%arg0: i32) -> (i32, i32) {
    %c0_i32 = arith.constant 0 : i32
    %c0_i32_0 = arith.constant 0 : i32
    %c0_i32_1 = arith.constant 0 : i32
    return %c0_i32, %c0_i32_0 : i32, i32
  }
  func.func @transform_7(%arg0: i32) -> (i32, i32) {
    %c0_i32 = arith.constant 0 : i32
    %c0_i32_0 = arith.constant 0 : i32
    %c0_i32_1 = arith.constant 0 : i32
    return %c0_i32, %c0_i32_0 : i32, i32
  }
  func.func @transform_8(%arg0: i32) -> (i32, i32) {
    %c0_i32 = arith.constant 0 : i32
    %c0_i32_0 = arith.constant 0 : i32
    %c0_i32_1 = arith.constant 0 : i32
    return %c0_i32, %c0_i32_0 : i32, i32
  }
  func.func @transform_9(%arg0: i32) -> (i32, i32) {
    %c0_i32 = arith.constant 0 : i32
    %c0_i32_0 = arith.constant 0 : i32
    %c0_i32_1 = arith.constant 0 : i32
    return %c0_i32, %c0_i32_0 : i32, i32
  }
  func.func @transform_10(%arg0: i32) -> (i32, i32) {
    %c0_i32 = arith.constant 0 : i32
    %c0_i32_0 = arith.constant 0 : i32
    %c0_i32_1 = arith.constant 0 : i32
    return %c0_i32, %c0_i32_0 : i32, i32
  }
  func.func @transform_11(%arg0: i32) -> (i32, i32) {
    %c0_i32 = arith.constant 0 : i32
    %c0_i32_0 = arith.constant 0 : i32
    %c0_i32_1 = arith.constant 0 : i32
    return %c0_i32, %c0_i32_0 : i32, i32
  }
  func.func @transform_12(%arg0: i32) -> (i32, i32) {
    %c0_i32 = arith.constant 0 : i32
    %c0_i32_0 = arith.constant 0 : i32
    %c0_i32_1 = arith.constant 0 : i32
    return %c0_i32, %c0_i32_0 : i32, i32
  }
}

</mosaic_0001>

<sc_bundles>
// kernel: kernel.6.cloned.1.call-start
scs
__scs_entry_jumppad:
0x0: {  	(pc) =	sbr.rel $0x88, $3  }
0x1: {  	(tag) =	ssettag $0x0;
	lr =	simm.s32 $0x1  }
0x2: {  	[smem:$0x3F98] =	sst lr;
	_ =	strace $0xD0000000  }
0x3: {  	_ = 	snop  }
0x4: {  	_ = 	snop  }
0x5: {  	_ = 	snop  }
0x6: {  	_ = 	snop  }
0x7: {  	_ = 	snop  }
__scs_overlays_trampoline_lowered:
0x8: {  	[smem:$0x3FA7] =	sst s0  }
0x9: {  	[smem:$0x3FA8] =	sst s1  }
0xa: {  	[smem:$0x3FA9] =	sst s2  }
0xb: {  	[smem:$0x3FAA] =	sst s3  }
0xc: {  	[smem:$0x3FAB] =	sst s4  }
0xd: {  	[smem:$0x3FAC] =	sst s5  }
0xe: {  	[smem:$0x3FAD] =	sst s6  }
0xf: {  	[smem:$0x3FAE] =	sst s7  }
0x10: {  	[smem:$0x3FAF] =	sst s8  }
0x11: {  	[smem:$0x3FB0] =	sst s9;
	s0 =	simm.s32 @!p0 $0x0  }
0x12: {  	s1 =	sld [smem:$0x3F96];
	s0 =	simm.s32 @p0 $0x1  }
0x13: {  	[smem:$0x3FB1] =	sst s0;
	s0 =	simm.s32 @!p1 $0x0  }
0x14: {  	s2 =	sld [smem:$0x3F95];
	s0 =	simm.s32 @p1 $0x1  }
0x15: {  	[smem:$0x3FB2] =	sst s0;
	s0 =	simm.s32 @!p2 $0x0  }
0x16: {  	s3 =	sld [smem:$0x3FDB];
	s0 =	simm.s32 @p2 $0x1  }
0x17: {  	s4 =	simm.s32 $0x1BF5;
	[smem:$0x3FB4] =	sst s0  }
0x18: {  	s0 =	sld [smem:$0x3F97];
	_ =	swait.ge [sflag:s4], $0x0  }
0x19: {  	s7 =	sld [smem:$0x3F98]  }
0x1a: {  	s8 =	sadd.s32 $0xFFFFE003, lr  }
0x1b: {  	s9 =	sadd.s32 $0xFFFFFEF7, lr;
	s5 =	simm.s32 $0xFFFFFFFF;
	p2 =	slt.u32 s8, $0xFFFFF086  }
0x1c: {  	p1 =	slt.u32 s9, $0xF7A;
	s5 =	simm.s32 @!p2 $0x0  }
0x1d: {  	s5 =	simm.s32 @p1 $0x1;
	p0 =	seq.s32 s7, s2  }
0x1e: {  	s7 =	smul.u32 @!p0 $0xF7A, s2;
	p2 =	seq.s32 @!p0 s5, $0x0  }
0x1f: {  	s9 =	smul.u32 $0xF7A, s1;
	s8 =	simm.s32 @!p0 $0x1BF5;
	p2 =	por !p2, p0  }
0x20: {  	[sflag:s8] =	ssyncset.s32 @!p0 $0xFFFFF086;
	s6 =	sadd.s32 @!p0 s3, s7;
	s7 =	simm.s32 @!p0 $0x108  }
0x21: {  	s3 =	sadd.s32 s3, s9;
	s6 =	sadd.s32 @!p0 $0x88, s6;
	s7 =	simm.s32 @p2 $0x1082  }
0x22: {  	[simem:s7], [sflag:s8] =	dma.local @!p0 [hbm:s6], $0xF7A  }
0x23: {  	s9 =	sor.u32 $0xD0000000, s2;
	s6 =	simm.s32 $0x108;
	_ =	swait.ge @!p0 [sflag:s8], $0x0  }
0x24: {  	s3 =	sadd.s32 $0x88, s3;
	s6 =	simm.s32 @!p1 $0x1082;
	[sflag:s4] =	ssyncset.s32 $0xFFFFF086  }
0x25: {  	[simem:s6], [sflag:s4] =	dma.local [hbm:s3], $0xF7A  }
0x26: {  	[smem:$0x3F98] =	sst s1;
	(tag) =	ssettag s2;
	_ =	strace s9  }
0x27: {  	s1 =	sld [smem:$0x3FA8]  }
0x28: {  	s2 =	sld [smem:$0x3FA9]  }
0x29: {  	s4 =	sld [smem:$0x3FAB]  }
0x2a: {  	p0 =	seq.s32 s5, $0x0;
	s5 =	sld [smem:$0x3FAC]  }
0x2b: {  	s6 =	sld [smem:$0x3FAD]  }
0x2c: {  	s7 =	sld [smem:$0x3FAE]  }
0x2d: {  	s3 =	simm.s32 $0x108;
	s8 =	sld [smem:$0x3FAF]  }
0x2e: {  	s3 =	simm.s32 @!p0 $0x1082;
	s9 =	sld [smem:$0x3FB0]  }
0x2f: {  	lr =	sadd.s32 s0, s3;
	s0 =	sld [smem:$0x3FA7]  }
0x30: {  	s3 =	sld [smem:$0x3FAA]  }
0x31: {  	[smem:$0x3FB3] =	sst s10  }
0x32: {  	s10 =	sld [smem:$0x3FB1];
	_ =	sdelay $0x3  }
0x33: {  	p0 =	seq.s32 s10, $0x1;
	s10 =	sld [smem:$0x3FB3];
	_ =	sdelay $0x3  }
0x34: {  	[smem:$0x3FB3] =	sst s10  }
0x35: {  	s10 =	sld [smem:$0x3FB2];
	_ =	sdelay $0x3  }
0x36: {  	p1 =	seq.s32 s10, $0x1;
	s10 =	sld [smem:$0x3FB3];
	_ =	sdelay $0x3  }
0x37: {  	[smem:$0x3FB3] =	sst s10  }
0x38: {  	s10 =	sld [smem:$0x3FB4]  }
0x39: {  	_ = 	snop;
	(pc) =	sbr.ind lr, $3  }
0x3a: {  	_ = 	snop  }
0x3b: {  	_ = 	snop  }
0x3c: {  	p2 =	seq.s32 s10, $0x1;
	s10 =	sld [smem:$0x3FB3]  }
0x3d: {  	_ =	shalt  }
0x3e: {  	_ =	shalt  }
0x3f: {  	_ =	shalt  }
0x40: {  	_ =	shalt  }
0x41: {  	_ =	shalt  }
0x42: {  	_ =	shalt  }
0x43: {  	_ =	shalt  }
0x44: {  	_ =	shalt  }
0x45: {  	_ =	shalt  }
0x46: {  	_ =	shalt  }
0x47: {  	_ =	shalt  }
0x48: {  	_ =	shalt  }
0x49: {  	_ =	shalt  }
0x4a: {  	_ =	shalt  }
0x4b: {  	_ =	shalt  }
0x4c: {  	_ =	shalt  }
0x4d: {  	_ =	shalt  }
0x4e: {  	_ =	shalt  }
0x4f: {  	_ =	shalt  }
0x50: {  	_ =	shalt  }
0x51: {  	_ =	shalt  }
0x52: {  	_ =	shalt  }
0x53: {  	_ =	shalt  }
0x54: {  	_ =	shalt  }
0x55: {  	_ =	shalt  }
0x56: {  	_ =	shalt  }
0x57: {  	_ =	shalt  }
0x58: {  	_ =	shalt  }
0x59: {  	_ =	shalt  }
0x5a: {  	_ =	shalt  }
0x5b: {  	_ =	shalt  }
0x5c: {  	_ =	shalt  }
0x5d: {  	_ =	shalt  }
0x5e: {  	_ =	shalt  }
0x5f: {  	_ =	shalt  }
0x60: {  	_ =	shalt  }
0x61: {  	_ =	shalt  }
0x62: {  	_ =	shalt  }
0x63: {  	_ =	shalt  }
0x64: {  	_ =	shalt  }
0x65: {  	_ =	shalt  }
0x66: {  	_ =	shalt  }
0x67: {  	_ =	shalt  }
0x68: {  	_ =	shalt  }
0x69: {  	_ =	shalt  }
0x6a: {  	_ =	shalt  }
0x6b: {  	_ =	shalt  }
0x6c: {  	_ =	shalt  }
0x6d: {  	_ =	shalt  }
0x6e: {  	_ =	shalt  }
0x6f: {  	_ =	shalt  }
0x70: {  	_ =	shalt  }
0x71: {  	_ =	shalt  }
0x72: {  	_ =	shalt  }
0x73: {  	_ =	shalt  }
0x74: {  	_ =	shalt  }
0x75: {  	_ =	shalt  }
0x76: {  	_ =	shalt  }
0x77: {  	_ =	shalt  }
0x78: {  	_ =	shalt  }
0x79: {  	_ =	shalt  }
0x7a: {  	_ =	shalt  }
0x7b: {  	_ =	shalt  }
0x7c: {  	_ =	shalt  }
0x7d: {  	_ =	shalt  }
0x7e: {  	_ =	shalt  }
0x7f: {  	_ =	shalt  }
0x80: {  	_ =	shalt  }
0x81: {  	_ =	shalt  }
0x82: {  	_ =	shalt  }
0x83: {  	_ =	shalt  }
0x84: {  	_ =	shalt  }
0x85: {  	_ =	shalt  }
0x86: {  	_ =	shalt  }
0x87: {  	_ =	shalt  }
.Lfunc_end0:
.L_simem_size_0:
called_computation_lowered:
.L_overlay_start_0:
0x88: {  	s2 =	sld [smem:$0x3FD9]  }
0x89: {  	s3 =	sld [smem:$0x3FFE];
	_ =	sdelay $0x1  }
0x8a: {  	s1 =	srdreg.scid  }
0x8b: {  	s0 =	sand.u32 $0x1, s1  }
0x8c: {  	s16 =	sshll.u32 s0, $0xA;
	s2 =	sadd.s32 s3, s2  }
0x8d: {  	s2 =	sadd.s32 s2, s16  }
0x8e: {  	[smem:$0x3FBF] =	sst s2  }
0x8f: {  	_ = 	snop  }
0x90: {  	(tm) =	ssettm $0x1  }
0x91: {  	s17 =	sld [smem:$0x3FFB];
	_ =	sdelay $0x3  }
0x92: {  	_ =	strace s17  }
0x93: {  	s2 =	sld [smem:$0x3FFC];
	_ =	sdelay $0x3  }
0x94: {  	_ =	strace s2  }
0x95: {  	s2 =	sld [smem:$0x3FFD];
	_ =	sdelay $0x3  }
0x96: {  	_ =	strace s2  }
0x97: {  	_ =	strace $0x8FFFFFFF  }
0x98: {  	s18 =	sld [smem:$0x3FDB];
	_ =	sdelay $0x1  }
0x99: {  	s19 =	simm.s32 $_scs_section_size  }
0x9a: {  	s4 =	simm.s32 $_size__tile_overlayer_lowered;
	s5 =	simm.s32 $_tile_overlayer_lowered  }
0x9b: {  	s22 =	simm.s32 $0x1BFF;
	s21 =	sshll.u32 s5, $0x1;
	s2 =	sadd.s32 s19, s18  }
0x9c: {  	s6 =	simm.s32 $0x0;
	s20 =	sshll.u32 s4, $0x1;
	s4 =	sadd.s32 s21, s2  }
0x9d: {  	[timem:s6], [sflag:s22] =	dma.local [hbm:s4], s20  }
0x9e: {  	_ =	swait.ge [sflag:s22], s20  }
0x9f: {  	s3 =	ssub.s32 $0x0, s20;
	[sflag:s22] =	ssyncset.done $0x0  }
0xa0: {  	[sflag:s22] =	ssyncadd.s32 s3;
	_ =	sdelay $0x1  }
0xa1: {  	s23 =	simm.s32 $0x1B8B  }
0xa2: {  	_ =	swait.ge [sflag:s23], $0x1  }
0xa3: {  	[sflag:s23] =	ssyncset.done $0x0  }
0xa4: {  	s25 =	simm.s32 $0x1B8E;
	s24 =	sld [smem:$0x3FFE];
	[sflag:s23] =	ssyncadd.s32 $0xFFFFFFFF  }
0xa5: {  	s26 =	simm.s32 $execute0_lowered;
	[smem:$0x3FD2] =	sst s25  }
0xa6: {  	s4 =	sshll.u32 s26, $0x1;
	_ =	strace $0x80000046;
	[dreg:$0x1] =	wrdreg $0xFFFFFFFF  }
0xa7: {  	s28 =	simm.s32 $_size_execute0_lowered;
	s2 =	sadd.s32 s2, s4;
	[dreg:$0x0] =	wrdreg $0x0  }
0xa8: {  	s4 =	sshll.u32 s28, $0x1;
	[dreg:$0x2] =	wrdreg s2  }
0xa9: {  	[dreg:$0x3] =	wrdreg s4  }
0xaa: {  	[dreg:$0x4] =	wrdreg $0xC0  }
0xab: {  	_ =	task [dreg:s6], $0x5FFFF  }
0xac: {  	[dreg:$0x1] =	wrdreg $0xFFFFFFFF  }
0xad: {  	[dreg:$0x0] =	wrdreg $0x60  }
0xae: {  	[dreg:$0x2] =	wrdreg s24  }
0xaf: {  	[dreg:$0x3] =	wrdreg $0x9  }
0xb0: {  	_ =	task.clear_ibuf [dreg:s6], $0x4FFFF;
	_ =	strace $0x90000046  }
0xb1: {  	s29 =	simm.s32 $0x9;
	_ =	strace $0x80000048  }
0xb2: {  	_ =	swait.ge [sflag:s29], $0x1  }
0xb3: {  	[sflag:s29] =	ssyncadd.s32 $0xFFFFFFFF  }
0xb4: {  	_ =	strace $0x90000048  }
0xb5: {  	_ =	sfence  }
0xb6: {  	s30 =	sld [smem:$0x0];
	_ =	sdelay $0x2  }
0xb7: {  	s31 =	sshll.u32 s1, $0xD;
	s1 =	sshrl.u32 s1, $0x2  }
0xb8: {  	s3 =	sand.u32 $0x4000, s31;
	s1 =	sadd.s32 s1, s30  }
0xb9: {  	s0 =	sor.u32 s3, s0;
	s1 =	sshll.u32 s1, $0x11  }
0xba: {  	s0 =	sor.u32 s1, s0  }
0xbb: {  	s0 =	sadd.s32 $0x8F2B, s0  }
0xbc: {  	[sflag:s0] =	ssyncadd.remote.s32 $0x1  }
0xbd: {  	_ =	sfence.sel $0xFFFF  }
0xbe: {  	[dreg:$0x0] =	wrdreg $0xFFFFFFFF;
	(pc) =	sbr.abs _section_cstart, $3  }
0xbf: {  	[dreg:$0x1] =	wrdreg $0xFFFFFFFF  }
0xc0: {  	_ =	task.clear_ibuf [dreg:s6], $0x2FFFF;
	_ =	strace $0x9FFFFFFF  }
0xc1: {  	(tm) =	ssettm $0x7FFFFFFF  }
tec
execute0_lowered:
.L_overlay_start_1:
0x0: {  	(tag) =	ssettag $0x1  }
0x1: {  	s1 =	srdreg.scid;
	s0 =	stileid.u32  }
0x2: {  	s4 =	sand.u32 $0x1, s1;
	s3 =	sshll.u32 s0, $0x1  }
0x3: {  	s5 =	rddreg [dreg:$0x0];
	s2 =	simm.s32 $0x0;
	s3 =	sor.u32 s4, s3  }
0x4: {  	s9 =	simm.s32 $0x1;
	s6 =	ssub.s32 $0x2, s4;
	s3 =	smul.u32 $0xC80, s3  }
0x5: {  	s10 =	simm.s32 $0xC80;
	s11 =	simm.s32 $0x0;
	s8 =	sshrl.u32 s6, $0x1  }
0x6: {  	[smem:$0x7FF] =	sst s2;
	s8 =	ssub.s32 s6, s8;
	s7 =	sshrl.u32 s3, $0x3  }
0x7: {  	_ =	strace $0x80000047;
	s31 =	smax.u32 s8, $0x1;
	s7 =	sadd.s32 s7, s5  }
0x8: {  	s4 =	sadd.s32 $0xBA00, s5;
	[dreg:$0x3] =	wrdreg s31;
	s30 =	sadd.s32 $0x8800, s7  }
0x9: {  	s8 =	simm.s32 $0x2;
	s5 =	sadd.s32 $0xF4DE00, s5;
	[dreg:$0x2] =	wrdreg s30  }
.LBB2_1:
0xa: {  	s0 =	rddreg [dreg:$0x2]  }
0xb: {  	[tilespmem:s2], [sflag:$0x2] =	stream.linear.gather [hbm4b:s0+s2], $0xC80, $0x38;
	[tilespmem:$0x19C80] =	vst v63  }
0xc: {  	_ =	swait.ge [sflag:s8], $0xC80  }
0xd: {  	[sflag:s8] =	ssyncset.done $0x0  }
0xe: {  	s12 =	simm.s32 $0x0;
	s13 =	simm.s32 $0x0;
	[sflag:s8] =	ssyncadd.s32 $0xFFFFF380  }
.LBB2_2:
0xf: {  	v0 =	vld [tilespmem:s12+$0x0];
	_ =	sdelay $0x4  }
0x10: {  	v0 =	vshll.u32 v0, $0x4  }
0x11: {  	(v2sf) =	vpush v0, $0x0  }
0x12: {  	(v2sf) =	vpush v0, $0x1  }
0x13: {  	(v2sf) =	vpush v0, $0x2;
	_ =	sdelay $0x1  }
0x14: {  	(v2sf) =	vpush v0, $0x4;
	_ =	sdelay $0x1  }
0x15: {  	(v2sf) =	vpush v0, $0x3  }
0x16: {  	s14 =	smul.u32 $0x320, s13;
	(v2sf) =	vpush v0, $0x5  }
0x17: {  	s16 =	simm.s32 $0x2000;
	s15 =	simm.s32 $0x0;
	s17 =	smov.u32 s12;
	(v2sf) =	vpush v0, $0x6  }
.LBB2_3:
0x18: {  	p0 =	sne.s32 s16, $0x62000  }
0x19: {  	s28 =	sadd.s32 $0xD00, s15;
	s21 =	sadd.s32 $0x1200, s15;
	s18 =	smov.u32 s16  }
0x1a: {  	s16 =	sadd.s32 $0x2000, s16;
	s24 =	sadd.s32 $0x1000, s15;
	s19 =	sadd.s32 $0x1280, s15;
	(v2sf) =	vpush v0, $0x7  }
0x1b: {  	s26 =	sadd.s32 $0xF00, s15;
	s23 =	sadd.s32 $0x1080, s15;
	s20 =	sadd.s32 $0x1300, s15  }
0x1c: {  	s29 =	sadd.s32 $0xC80, s15;
	s30 =	sadd.s32 $0xE80, s15;
	(v2sf) =	vpush v0, $0x8  }
0x1d: {  	s31 =	sadd.s32 $0xF80, s15;
	s17 =	sadd.s32 $0x10, s17  }
0x1e: {  	s1 =	sadd.s32 $0xD80, s15;
	s22 =	sadd.s32 $0x1180, s15;
	s25 =	spop (v2sf);
	(v2sf) =	vpush v0, $0x9  }
0x1f: {  	s0 =	sand.u32 $0x1FFFFFF0, s25;
	s25 =	sadd.s32 $0x1100, s15;
	s6 =	spop (v2sf)  }
0x20: {  	s0 =	sadd.s32 s4, s0;
	s6 =	sand.u32 $0x1FFFFFF0, s6;
	s7 =	spop (v2sf);
	(v2sf) =	vpush v0, $0xA  }
0x21: {  	[tilespmem:s29], [sflag:$0x1] =	stream.linear.gather [hbm4b:s0+s2], $0x80, $0x38;
	[tilespmem:$0x19C80] =	vst v63  }
0x22: {  	s0 =	sadd.s32 s4, s6;
	s6 =	sadd.s32 $0xE00, s15;
	s29 =	spop (v2sf);
	(v2sf) =	vpush v0, $0xB  }
0x23: {  	[tilespmem:s28], [sflag:$0x1] =	stream.linear.gather [hbm4b:s0+s2], $0x80, $0x38;
	[tilespmem:$0x19C80] =	vst v63  }
0x24: {  	s0 =	sand.u32 $0x1FFFFFF0, s7;
	s7 =	sand.u32 $0x1FFFFFF0, s29;
	s28 =	spop (v2sf);
	(v2sf) =	vpush v0, $0xC  }
0x25: {  	s0 =	sadd.s32 s4, s0;
	s28 =	sand.u32 $0x1FFFFFF0, s28;
	s29 =	spop (v2sf)  }
0x26: {  	[tilespmem:s1], [sflag:$0x1] =	stream.linear.gather [hbm4b:s0+s2], $0x80, $0x38;
	(v2sf) =	vpush v0, $0xD;
	[tilespmem:$0x19C80] =	vst v63  }
0x27: {  	s0 =	sadd.s32 s4, s28;
	s1 =	sand.u32 $0x1FFFFFF0, s29;
	s28 =	spop (v2sf)  }
0x28: {  	[tilespmem:s6], [sflag:$0x1] =	stream.linear.gather [hbm4b:s0+s2], $0x80, $0x38;
	(v2sf) =	vpush v0, $0xE;
	[tilespmem:$0x19C80] =	vst v63  }
0x29: {  	s0 =	sadd.s32 s4, s7;
	s6 =	sand.u32 $0x1FFFFFF0, s28;
	s7 =	spop (v2sf)  }
0x2a: {  	[tilespmem:s30], [sflag:$0x1] =	stream.linear.gather [hbm4b:s0+s2], $0x80, $0x38;
	(v2sf) =	vpush v0, $0xF;
	[tilespmem:$0x19C80] =	vst v63  }
0x2b: {  	s0 =	sadd.s32 s4, s1;
	s1 =	sand.u32 $0x1FFFFFF0, s7;
	s7 =	spop (v2sf)  }
0x2c: {  	[tilespmem:s26], [sflag:$0x1] =	stream.linear.gather [hbm4b:s0+s2], $0x80, $0x38;
	[tilespmem:$0x19C80] =	vst v63  }
0x2d: {  	s0 =	sadd.s32 s4, s6;
	s6 =	sand.u32 $0x1FFFFFF0, s7;
	s7 =	spop (v2sf)  }
0x2e: {  	[tilespmem:s31], [sflag:$0x1] =	stream.linear.gather [hbm4b:s0+s2], $0x80, $0x38;
	[tilespmem:$0x19C80] =	vst v63  }
0x2f: {  	s0 =	sadd.s32 s4, s1;
	s1 =	sand.u32 $0x1FFFFFF0, s7;
	s7 =	spop (v2sf)  }
0x30: {  	[tilespmem:s24], [sflag:$0x1] =	stream.linear.gather [hbm4b:s0+s2], $0x80, $0x38;
	[tilespmem:$0x19C80] =	vst v63  }
0x31: {  	s0 =	sadd.s32 s4, s6;
	s6 =	sand.u32 $0x1FFFFFF0, s7;
	s7 =	spop (v2sf)  }
0x32: {  	[tilespmem:s23], [sflag:$0x1] =	stream.linear.gather [hbm4b:s0+s2], $0x80, $0x38;
	[tilespmem:$0x19C80] =	vst v63  }
0x33: {  	s0 =	sadd.s32 s4, s1;
	s1 =	sand.u32 $0x1FFFFFF0, s7;
	s7 =	spop (v2sf)  }
0x34: {  	[tilespmem:s25], [sflag:$0x1] =	stream.linear.gather [hbm4b:s0+s2], $0x80, $0x38;
	[tilespmem:$0x19C80] =	vst v63  }
0x35: {  	s0 =	sadd.s32 s4, s6;
	s6 =	sand.u32 $0x1FFFFFF0, s7;
	s7 =	spop (v2sf)  }
0x36: {  	[tilespmem:s22], [sflag:$0x1] =	stream.linear.gather [hbm4b:s0+s2], $0x80, $0x38;
	[tilespmem:$0x19C80] =	vst v63  }
0x37: {  	s0 =	sadd.s32 s4, s1;
	s1 =	sand.u32 $0x1FFFFFF0, s7;
	s7 =	spop (v2sf)  }
0x38: {  	[tilespmem:s21], [sflag:$0x1] =	stream.linear.gather [hbm4b:s0+s2], $0x80, $0x38;
	[tilespmem:$0x19C80] =	vst v63  }
0x39: {  	s0 =	sadd.s32 s4, s6;
	s6 =	sand.u32 $0x1FFFFFF0, s7;
	s7 =	spop (v2sf)  }
0x3a: {  	[tilespmem:s19], [sflag:$0x1] =	stream.linear.gather [hbm4b:s0+s2], $0x80, $0x38;
	[tilespmem:$0x19C80] =	vst v63  }
0x3b: {  	s0 =	sadd.s32 s4, s1;
	s1 =	sand.u32 $0x1FFFFFF0, s7  }
0x3c: {  	[tilespmem:s20], [sflag:$0x1] =	stream.linear.gather [hbm4b:s0+s2], $0x80, $0x38;
	[tilespmem:$0x19C80] =	vst v63  }
0x3d: {  	s6 =	sadd.s32 s4, s6;
	s0 =	sadd.s32 $0x1380, s15  }
0x3e: {  	[tilespmem:s0], [sflag:$0x1] =	stream.linear.gather [hbm4b:s6+s2], $0x80, $0x38;
	[tilespmem:$0x19C80] =	vst v63  }
0x3f: {  	s1 =	sadd.s32 s4, s1;
	s0 =	sadd.s32 $0x1400, s15  }
0x40: {  	[tilespmem:s0], [sflag:$0x1] =	stream.linear.gather [hbm4b:s1+s2], $0x80, $0x38;
	[tilespmem:$0x19C80] =	vst v63  }
0x41: {  	v0 =	vld [tilespmem:s17+$0x0];
	_ =	sdelay $0x4  }
0x42: {  	v0 =	vshll.u32 v0, $0x4  }
0x43: {  	(v2sf) =	vpush v0, $0x0  }
0x44: {  	(v2sf) =	vpush v0, $0x1  }
0x45: {  	(v2sf) =	vpush v0, $0x2;
	_ =	sdelay $0x1  }
0x46: {  	(v2sf) =	vpush v0, $0x4  }
.Ltmp0:
0x47: {  	(pc) =	sbr.rel @p0 .LBB2_3-.Ltmp0, $3  }
0x48: {  	(v2sf) =	vpush v0, $0x3  }
0x49: {  	(v2sf) =	vpush v0, $0x5;
	_ =	sdelay $0x1  }
0x4a: {  	s15 =	sshra.s32 s18, $0x2;
	(v2sf) =	vpush v0, $0x6  }
0x4b: {  	_ =	sdelay $0x5  }
0x4c: {  	s0 =	spop (v2sf)  }
0x4d: {  	s1 =	spop (v2sf)  }
0x4e: {  	s17 =	spop (v2sf)  }
0x4f: {  	s20 =	spop (v2sf);
	(v2sf) =	vpush v0, $0x7  }
0x50: {  	s0 =	sand.u32 $0x1FFFFFF0, s0  }
0x51: {  	s6 =	sadd.s32 $0xC80, s15;
	s0 =	sadd.s32 s4, s0  }
0x52: {  	[tilespmem:s6], [sflag:$0x1] =	stream.linear.gather [hbm4b:s0+s2], $0x80, $0x38;
	[tilespmem:$0x19C80] =	vst v63  }
0x53: {  	s1 =	sand.u32 $0x1FFFFFF0, s1;
	s21 =	spop (v2sf);
	(v2sf) =	vpush v0, $0x8  }
0x54: {  	s16 =	sadd.s32 $0xD00, s15;
	s1 =	sadd.s32 s4, s1  }
0x55: {  	[tilespmem:s16], [sflag:$0x1] =	stream.linear.gather [hbm4b:s1+s2], $0x80, $0x38;
	[tilespmem:$0x19C80] =	vst v63  }
0x56: {  	s18 =	sand.u32 $0x1FFFFFF0, s17;
	s25 =	spop (v2sf);
	(v2sf) =	vpush v0, $0x9  }
0x57: {  	s19 =	sadd.s32 $0xD80, s15;
	s0 =	sadd.s32 s4, s18  }
0x58: {  	[tilespmem:s19], [sflag:$0x1] =	stream.linear.gather [hbm4b:s0+s2], $0x80, $0x38;
	[tilespmem:$0x19C80] =	vst v63  }
0x59: {  	s0 =	sand.u32 $0x1FFFFFF0, s21;
	s28 =	spop (v2sf);
	(v2sf) =	vpush v0, $0xA  }
0x5a: {  	s22 =	sadd.s32 $0xE00, s15;
	s23 =	sand.u32 $0x1FFFFFF0, s20;
	s0 =	sadd.s32 s4, s0  }
0x5b: {  	[tilespmem:s22], [sflag:$0x1] =	stream.linear.gather [hbm4b:s0+s2], $0x80, $0x38;
	[tilespmem:$0x19C80] =	vst v63  }
0x5c: {  	s24 =	sadd.s32 $0xE80, s15;
	s0 =	sadd.s32 s4, s23  }
0x5d: {  	[tilespmem:s24], [sflag:$0x1] =	stream.linear.gather [hbm4b:s0+s2], $0x80, $0x38;
	[tilespmem:$0x19C80] =	vst v63  }
0x5e: {  	s0 =	sand.u32 $0x1FFFFFF0, s25;
	s30 =	spop (v2sf);
	(v2sf) =	vpush v0, $0xB  }
0x5f: {  	s26 =	sadd.s32 $0xF00, s15;
	s0 =	sadd.s32 s4, s0  }
0x60: {  	[tilespmem:s26], [sflag:$0x1] =	stream.linear.gather [hbm4b:s0+s2], $0x80, $0x38;
	[tilespmem:$0x19C80] =	vst v63  }
0x61: {  	s0 =	sand.u32 $0x1FFFFFF0, s28  }
0x62: {  	s29 =	sadd.s32 $0xF80, s15;
	s0 =	sadd.s32 s4, s0;
	s6 =	spop (v2sf);
	(v2sf) =	vpush v0, $0xC  }
0x63: {  	[tilespmem:s29], [sflag:$0x1] =	stream.linear.gather [hbm4b:s0+s2], $0x80, $0x38;
	[tilespmem:$0x19C80] =	vst v63  }
0x64: {  	s0 =	sand.u32 $0x1FFFFFF0, s30  }
0x65: {  	s31 =	sadd.s32 $0x1000, s15;
	s0 =	sadd.s32 s4, s0;
	s16 =	spop (v2sf);
	(v2sf) =	vpush v0, $0xD  }
0x66: {  	[tilespmem:s31], [sflag:$0x1] =	stream.linear.gather [hbm4b:s0+s2], $0x80, $0x38;
	[tilespmem:$0x19C80] =	vst v63  }
0x67: {  	s0 =	sand.u32 $0x1FFFFFF0, s6  }
0x68: {  	s7 =	sadd.s32 $0x1080, s15;
	s0 =	sadd.s32 s4, s0;
	s18 =	spop (v2sf);
	(v2sf) =	vpush v0, $0xE  }
0x69: {  	[tilespmem:s7], [sflag:$0x1] =	stream.linear.gather [hbm4b:s0+s2], $0x80, $0x38;
	[tilespmem:$0x19C80] =	vst v63  }
0x6a: {  	s0 =	sand.u32 $0x1FFFFFF0, s16  }
0x6b: {  	s17 =	sadd.s32 $0x1100, s15;
	s0 =	sadd.s32 s4, s0  }
0x6c: {  	[tilespmem:s17], [sflag:$0x1] =	stream.linear.gather [hbm4b:s0+s2], $0x80, $0x38;
	[tilespmem:$0x19C80] =	vst v63  }
0x6d: {  	s0 =	sand.u32 $0x1FFFFFF0, s18;
	s20 =	spop (v2sf);
	(v2sf) =	vpush v0, $0xF  }
0x6e: {  	s19 =	sadd.s32 $0x1180, s15;
	s0 =	sadd.s32 s4, s0  }
0x6f: {  	[tilespmem:s19], [sflag:$0x1] =	stream.linear.gather [hbm4b:s0+s2], $0x80, $0x38;
	[tilespmem:$0x19C80] =	vst v63  }
0x70: {  	s0 =	sand.u32 $0x1FFFFFF0, s20  }
0x71: {  	s21 =	sadd.s32 $0x1200, s15;
	s0 =	sadd.s32 s4, s0;
	s22 =	spop (v2sf)  }
0x72: {  	[tilespmem:s21], [sflag:$0x1] =	stream.linear.gather [hbm4b:s0+s2], $0x80, $0x38;
	[tilespmem:$0x19C80] =	vst v63  }
0x73: {  	s0 =	sand.u32 $0x1FFFFFF0, s22  }
0x74: {  	s23 =	sadd.s32 $0x1280, s15;
	s24 =	spop (v2sf);
	s0 =	sadd.s32 s4, s0  }
0x75: {  	[tilespmem:s23], [sflag:$0x1] =	stream.linear.gather [hbm4b:s0+s2], $0x80, $0x38;
	[tilespmem:$0x19C80] =	vst v63  }
0x76: {  	s0 =	sand.u32 $0x1FFFFFF0, s24  }
0x77: {  	s25 =	sadd.s32 $0x1300, s15;
	s26 =	spop (v2sf);
	s0 =	sadd.s32 s4, s0  }
0x78: {  	[tilespmem:s25], [sflag:$0x1] =	stream.linear.gather [hbm4b:s0+s2], $0x80, $0x38;
	[tilespmem:$0x19C80] =	vst v63  }
0x79: {  	s0 =	sand.u32 $0x1FFFFFF0, s26  }
0x7a: {  	s28 =	sadd.s32 $0x1380, s15;
	s0 =	sadd.s32 s4, s0  }
0x7b: {  	[tilespmem:s28], [sflag:$0x1] =	stream.linear.gather [hbm4b:s0+s2], $0x80, $0x38;
	[tilespmem:$0x19C80] =	vst v63  }
0x7c: {  	s29 =	spop (v2sf)  }
0x7d: {  	s0 =	sand.u32 $0x1FFFFFF0, s29  }
0x7e: {  	s30 =	sadd.s32 $0x1400, s15;
	s0 =	sadd.s32 s4, s0  }
0x7f: {  	[tilespmem:s30], [sflag:$0x1] =	stream.linear.gather [hbm4b:s0+s2], $0x80, $0x38;
	[tilespmem:$0x19C80] =	vst v63  }
0x80: {  	s13 =	sadd.s32 $0x1, s13;
	s31 =	sadd.s32 s3, s14;
	_ =	swait.ge [sflag:s9], $0x19000  }
0x81: {  	p0 =	sne.s32 s13, $0x4;
	s0 =	sshll.u32 s31, $0x4;
	[sflag:s9] =	ssyncset.done $0x0  }
.Ltmp1:
0x82: {  	s0 =	sadd.s32 s5, s0;
	[sflag:s9] =	ssyncadd.s32 $0xFFFE7000;
	(pc) =	sbr.rel @p0 .LBB2_2-.Ltmp1, $4  }
0x83: {  	[hbm4b:s0+s2] =	stream.linear.scatter [tilespmem:s10], [sflag:$0x2], $0x19000, $0x38;
	[tilespmem:$0x19C80] =	vst v63  }
0x84: {  	_ =	swait.ge [sflag:s8], $0x19000  }
0x85: {  	[sflag:s8] =	ssyncset.done $0x0  }
0x86: {  	s12 =	sadd.s32 $0x320, s12;
	[sflag:s8] =	ssyncadd.s32 $0xFFFE7000  }
0x87: {  	s11 =	sadd.s32 $0x1, s11;
	s0 =	rddreg [dreg:$0x3]  }
0x88: {  	p0 =	sne.s32 s11, s0  }
.Ltmp2:
0x89: {  	_ = 	snop;
	(pc) =	sbr.rel @p0 .LBB2_1-.Ltmp2, $1  }
0x8a: {  	_ =	sdelay $0x3  }
0x8b: {  	_ =	sfence.sel $0x180000  }
0x8c: {  	[bflag:$0x0] =	sbarrier.arrive $0xFFFF  }
0x8d: {  	_ =	strace $0x90000047  }
0x8e: {  	s0 =	stileid.u32;
	[bflag:$0x2] =	sbarrier.arrive $0xFFFF  }
0x8f: {  	p0 =	sne.s32 s0, $0x0;
	s0 =	rddreg [dreg:$0x1]  }
0x90: {  	s0 =	sadd.s32 @!p0 $0x100000, s0  }
0x91: {  	[sflag:s0] =	ssyncadd.tile.s32 @!p0 $0x1;
	_ =	shalt  }
.Lfunc_end2:
_tile_overlayer_lowered:
.L_overlay_start_2:
0x92: {  	(tag) =	ssettag $0x2  }
0x93: {  	s0 =	rddreg [dreg:$0x0];
	s2 =	stileid.u32  }
0x94: {  	s1 =	rddreg [dreg:$0x1];
	p0 =	sne.s32 s2, $0x0  }
0x95: {  	s3 =	rddreg [dreg:$0x2];
	[bflag:$0x3] =	sbarrier.arrive $0xFFFF;
	s2 =	simm.s32 @!p0 $0x1C02  }
0x96: {  	[timem:s3], [sflag:s2] =	dma.local @!p0 [hbm:s0], s1  }
0x97: {  	s0 =	simm.s32 @!p0 $0x2  }
0x98: {  	_ =	swait.ge @!p0 [sflag:s0], s1  }
0x99: {  	s1 =	ssub.s32 @!p0 $0x0, s1;
	[sflag:s0] =	ssyncset.done @!p0 $0x0  }
0x9a: {  	[sflag:s0] =	ssyncadd.s32 @!p0 s1  }
0x9b: {  	[bflag:$0x3] =	sbarrier.arrive $0xFFFF  }
0x9c: {  	_ =	shalt  }

// kernel: kernel.9.cloned.1.call-start
scs
__scs_entry_jumppad:
0x0: {  	(pc) =	sbr.rel $0x88, $3  }
0x1: {  	(tag) =	ssettag $0x0;
	lr =	simm.s32 $0x1  }
0x2: {  	[smem:$0x3F98] =	sst lr;
	_ =	strace $0xD0000000  }
0x3: {  	_ = 	snop  }
0x4: {  	_ = 	snop  }
0x5: {  	_ = 	snop  }
0x6: {  	_ = 	snop  }
0x7: {  	_ = 	snop  }
__scs_overlays_trampoline_lowered:
0x8: {  	[smem:$0x3FA7] =	sst s0  }
0x9: {  	[smem:$0x3FA8] =	sst s1  }
0xa: {  	[smem:$0x3FA9] =	sst s2  }
0xb: {  	[smem:$0x3FAA] =	sst s3  }
0xc: {  	[smem:$0x3FAB] =	sst s4  }
0xd: {  	[smem:$0x3FAC] =	sst s5  }
0xe: {  	[smem:$0x3FAD] =	sst s6  }
0xf: {  	[smem:$0x3FAE] =	sst s7  }
0x10: {  	[smem:$0x3FAF] =	sst s8  }
0x11: {  	[smem:$0x3FB0] =	sst s9;
	s0 =	simm.s32 @!p0 $0x0  }
0x12: {  	s1 =	sld [smem:$0x3F96];
	s0 =	simm.s32 @p0 $0x1  }
0x13: {  	[smem:$0x3FB1] =	sst s0;
	s0 =	simm.s32 @!p1 $0x0  }
0x14: {  	s2 =	sld [smem:$0x3F95];
	s0 =	simm.s32 @p1 $0x1  }
0x15: {  	[smem:$0x3FB2] =	sst s0;
	s0 =	simm.s32 @!p2 $0x0  }
0x16: {  	s3 =	sld [smem:$0x3FDB];
	s0 =	simm.s32 @p2 $0x1  }
0x17: {  	s4 =	simm.s32 $0x1BF5;
	[smem:$0x3FB4] =	sst s0  }
0x18: {  	s0 =	sld [smem:$0x3F97];
	_ =	swait.ge [sflag:s4], $0x0  }
0x19: {  	s7 =	sld [smem:$0x3F98]  }
0x1a: {  	s8 =	sadd.s32 $0xFFFFE003, lr  }
0x1b: {  	s9 =	sadd.s32 $0xFFFFFEF7, lr;
	s5 =	simm.s32 $0xFFFFFFFF;
	p2 =	slt.u32 s8, $0xFFFFF086  }
0x1c: {  	p1 =	slt.u32 s9, $0xF7A;
	s5 =	simm.s32 @!p2 $0x0  }
0x1d: {  	s5 =	simm.s32 @p1 $0x1;
	p0 =	seq.s32 s7, s2  }
0x1e: {  	s7 =	smul.u32 @!p0 $0xF7A, s2;
	p2 =	seq.s32 @!p0 s5, $0x0  }
0x1f: {  	s9 =	smul.u32 $0xF7A, s1;
	s8 =	simm.s32 @!p0 $0x1BF5;
	p2 =	por !p2, p0  }
0x20: {  	[sflag:s8] =	ssyncset.s32 @!p0 $0xFFFFF086;
	s6 =	sadd.s32 @!p0 s3, s7;
	s7 =	simm.s32 @!p0 $0x108  }
0x21: {  	s3 =	sadd.s32 s3, s9;
	s6 =	sadd.s32 @!p0 $0x88, s6;
	s7 =	simm.s32 @p2 $0x1082  }
0x22: {  	[simem:s7], [sflag:s8] =	dma.local @!p0 [hbm:s6], $0xF7A  }
0x23: {  	s9 =	sor.u32 $0xD0000000, s2;
	s6 =	simm.s32 $0x108;
	_ =	swait.ge @!p0 [sflag:s8], $0x0  }
0x24: {  	s3 =	sadd.s32 $0x88, s3;
	s6 =	simm.s32 @!p1 $0x1082;
	[sflag:s4] =	ssyncset.s32 $0xFFFFF086  }
0x25: {  	[simem:s6], [sflag:s4] =	dma.local [hbm:s3], $0xF7A  }
0x26: {  	[smem:$0x3F98] =	sst s1;
	(tag) =	ssettag s2;
	_ =	strace s9  }
0x27: {  	s1 =	sld [smem:$0x3FA8]  }
0x28: {  	s2 =	sld [smem:$0x3FA9]  }
0x29: {  	s4 =	sld [smem:$0x3FAB]  }
0x2a: {  	p0 =	seq.s32 s5, $0x0;
	s5 =	sld [smem:$0x3FAC]  }
0x2b: {  	s6 =	sld [smem:$0x3FAD]  }
0x2c: {  	s7 =	sld [smem:$0x3FAE]  }
0x2d: {  	s3 =	simm.s32 $0x108;
	s8 =	sld [smem:$0x3FAF]  }
0x2e: {  	s3 =	simm.s32 @!p0 $0x1082;
	s9 =	sld [smem:$0x3FB0]  }
0x2f: {  	lr =	sadd.s32 s0, s3;
	s0 =	sld [smem:$0x3FA7]  }
0x30: {  	s3 =	sld [smem:$0x3FAA]  }
0x31: {  	[smem:$0x3FB3] =	sst s10  }
0x32: {  	s10 =	sld [smem:$0x3FB1];
	_ =	sdelay $0x3  }
0x33: {  	p0 =	seq.s32 s10, $0x1;
	s10 =	sld [smem:$0x3FB3];
	_ =	sdelay $0x3  }
0x34: {  	[smem:$0x3FB3] =	sst s10  }
0x35: {  	s10 =	sld [smem:$0x3FB2];
	_ =	sdelay $0x3  }
0x36: {  	p1 =	seq.s32 s10, $0x1;
	s10 =	sld [smem:$0x3FB3];
	_ =	sdelay $0x3  }
0x37: {  	[smem:$0x3FB3] =	sst s10  }
0x38: {  	s10 =	sld [smem:$0x3FB4]  }
0x39: {  	_ = 	snop;
	(pc) =	sbr.ind lr, $3  }
0x3a: {  	_ = 	snop  }
0x3b: {  	_ = 	snop  }
0x3c: {  	p2 =	seq.s32 s10, $0x1;
	s10 =	sld [smem:$0x3FB3]  }
0x3d: {  	_ =	shalt  }
0x3e: {  	_ =	shalt  }
0x3f: {  	_ =	shalt  }
0x40: {  	_ =	shalt  }
0x41: {  	_ =	shalt  }
0x42: {  	_ =	shalt  }
0x43: {  	_ =	shalt  }
0x44: {  	_ =	shalt  }
0x45: {  	_ =	shalt  }
0x46: {  	_ =	shalt  }
0x47: {  	_ =	shalt  }
0x48: {  	_ =	shalt  }
0x49: {  	_ =	shalt  }
0x4a: {  	_ =	shalt  }
0x4b: {  	_ =	shalt  }
0x4c: {  	_ =	shalt  }
0x4d: {  	_ =	shalt  }
0x4e: {  	_ =	shalt  }
0x4f: {  	_ =	shalt  }
0x50: {  	_ =	shalt  }
0x51: {  	_ =	shalt  }
0x52: {  	_ =	shalt  }
0x53: {  	_ =	shalt  }
0x54: {  	_ =	shalt  }
0x55: {  	_ =	shalt  }
0x56: {  	_ =	shalt  }
0x57: {  	_ =	shalt  }
0x58: {  	_ =	shalt  }
0x59: {  	_ =	shalt  }
0x5a: {  	_ =	shalt  }
0x5b: {  	_ =	shalt  }
0x5c: {  	_ =	shalt  }
0x5d: {  	_ =	shalt  }
0x5e: {  	_ =	shalt  }
0x5f: {  	_ =	shalt  }
0x60: {  	_ =	shalt  }
0x61: {  	_ =	shalt  }
0x62: {  	_ =	shalt  }
0x63: {  	_ =	shalt  }
0x64: {  	_ =	shalt  }
0x65: {  	_ =	shalt  }
0x66: {  	_ =	shalt  }
0x67: {  	_ =	shalt  }
0x68: {  	_ =	shalt  }
0x69: {  	_ =	shalt  }
0x6a: {  	_ =	shalt  }
0x6b: {  	_ =	shalt  }
0x6c: {  	_ =	shalt  }
0x6d: {  	_ =	shalt  }
0x6e: {  	_ =	shalt  }
0x6f: {  	_ =	shalt  }
0x70: {  	_ =	shalt  }
0x71: {  	_ =	shalt  }
0x72: {  	_ =	shalt  }
0x73: {  	_ =	shalt  }
0x74: {  	_ =	shalt  }
0x75: {  	_ =	shalt  }
0x76: {  	_ =	shalt  }
0x77: {  	_ =	shalt  }
0x78: {  	_ =	shalt  }
0x79: {  	_ =	shalt  }
0x7a: {  	_ =	shalt  }
0x7b: {  	_ =	shalt  }
0x7c: {  	_ =	shalt  }
0x7d: {  	_ =	shalt  }
0x7e: {  	_ =	shalt  }
0x7f: {  	_ =	shalt  }
0x80: {  	_ =	shalt  }
0x81: {  	_ =	shalt  }
0x82: {  	_ =	shalt  }
0x83: {  	_ =	shalt  }
0x84: {  	_ =	shalt  }
0x85: {  	_ =	shalt  }
0x86: {  	_ =	shalt  }
0x87: {  	_ =	shalt  }
.Lfunc_end0:
.L_simem_size_0:
called_computation.1_lowered:
.L_overlay_start_0:
0x88: {  	s2 =	sld [smem:$0x3FD9]  }
0x89: {  	s3 =	sld [smem:$0x3FFE];
	_ =	sdelay $0x1  }
0x8a: {  	s1 =	srdreg.scid  }
0x8b: {  	s0 =	sand.u32 $0x1, s1  }
0x8c: {  	s17 =	sshll.u32 s0, $0xA;
	s2 =	sadd.s32 s3, s2  }
0x8d: {  	s2 =	sadd.s32 s2, s17  }
0x8e: {  	[smem:$0x3FBF] =	sst s2  }
0x8f: {  	_ = 	snop  }
0x90: {  	(tm) =	ssettm $0x1  }
0x91: {  	s18 =	sld [smem:$0x3FFB];
	_ =	sdelay $0x3  }
0x92: {  	_ =	strace s18  }
0x93: {  	s2 =	sld [smem:$0x3FFC];
	_ =	sdelay $0x3  }
0x94: {  	_ =	strace s2  }
0x95: {  	s2 =	sld [smem:$0x3FFD];
	_ =	sdelay $0x3  }
0x96: {  	_ =	strace s2  }
0x97: {  	_ =	strace $0x8FFFFFFF  }
0x98: {  	s19 =	sld [smem:$0x3FDB];
	_ =	sdelay $0x1  }
0x99: {  	s20 =	simm.s32 $_scs_section_size  }
0x9a: {  	s4 =	simm.s32 $_size__tile_overlayer_lowered;
	s5 =	simm.s32 $_tile_overlayer_lowered  }
0x9b: {  	s6 =	simm.s32 $0x1BFF;
	s21 =	sshll.u32 s5, $0x1;
	s3 =	sadd.s32 s20, s19  }
0x9c: {  	s22 =	simm.s32 $0x0;
	s4 =	sshll.u32 s4, $0x1;
	s5 =	sadd.s32 s21, s3  }
0x9d: {  	[timem:s22], [sflag:s6] =	dma.local [hbm:s5], s4  }
0x9e: {  	_ =	swait.ge [sflag:s6], s4  }
0x9f: {  	s4 =	ssub.s32 $0x0, s4;
	[sflag:s6] =	ssyncset.done $0x0  }
0xa0: {  	[sflag:s6] =	ssyncadd.s32 s4;
	_ =	sdelay $0x1  }
0xa1: {  	s23 =	simm.s32 $0x1B8B  }
0xa2: {  	_ =	swait.ge [sflag:s23], $0x1  }
0xa3: {  	[sflag:s23] =	ssyncset.done $0x0  }
0xa4: {  	[sflag:s23] =	ssyncadd.s32 $0xFFFFFFFF  }
0xa5: {  	s4 =	sld [smem:$0x0]  }
0xa6: {  	s5 =	sand.u32 $0xFFFFFFFE, s1  }
0xa7: {  	p0 =	sne.s32 s1, s5  }
0xa8: {  	s5 =	sshll.u32 @p0 s5, $0xE  }
0xa9: {  	s5 =	sadd.s32 @p0 $0x11B8D, s5;
	s6 =	sshll.u32 @p0 s4, $0x11  }
0xaa: {  	s5 =	sor.u32 @p0 s6, s5  }
0xab: {  	[sflag:s5] =	ssyncadd.remote.s32 @p0 $0x1;
	_ =	sdelay $0x1  }
0xac: {  	s5 =	simm.s32 @p0 $0x1B8D  }
0xad: {  	_ =	swait.eq @p0 [sflag:s5], $0x1  }
0xae: {  	[sflag:s5] =	ssyncadd.s32 @p0 $0xFFFFFFFF  }
0xaf: {  	s6 =	sshll.u32 @!p0 s1, $0xE  }
0xb0: {  	s6 =	sor.u32 @!p0 $0x4000, s6;
	s5 =	simm.s32 @!p0 $0x1B8D  }
0xb1: {  	s4 =	sshll.u32 @!p0 s4, $0x11;
	s6 =	sadd.s32 @!p0 $0x11B8D, s6;
	_ =	swait.eq @!p0 [sflag:s5], $0x1  }
0xb2: {  	s4 =	sor.u32 @!p0 s4, s6;
	[sflag:s5] =	ssyncadd.s32 @!p0 $0xFFFFFFFF  }
0xb3: {  	s25 =	simm.s32 $0x1B8E;
	s24 =	sld [smem:$0x3FFE];
	[sflag:s4] =	ssyncadd.remote.s32 @!p0 $0x1  }
0xb4: {  	s26 =	simm.s32 $execute0_lowered;
	[smem:$0x3FD2] =	sst s25  }
0xb5: {  	s5 =	sshll.u32 s26, $0x1;
	_ =	strace $0x80000049;
	[dreg:$0x1] =	wrdreg $0xFFFFFFFF  }
0xb6: {  	s28 =	simm.s32 $_size_execute0_lowered;
	s3 =	sadd.s32 s3, s5;
	[dreg:$0x0] =	wrdreg $0x0  }
0xb7: {  	s5 =	sshll.u32 s28, $0x1;
	[dreg:$0x2] =	wrdreg s3  }
0xb8: {  	[dreg:$0x3] =	wrdreg s5  }
0xb9: {  	[dreg:$0x4] =	wrdreg $0xC0  }
0xba: {  	_ =	task [dreg:s22], $0x5FFFF  }
0xbb: {  	[dreg:$0x1] =	wrdreg $0xFFFFFFFF  }
0xbc: {  	[dreg:$0x0] =	wrdreg $0x60  }
0xbd: {  	[dreg:$0x2] =	wrdreg s24  }
0xbe: {  	[dreg:$0x3] =	wrdreg $0xA  }
0xbf: {  	_ =	task.clear_ibuf [dreg:s22], $0x4FFFF;
	_ =	strace $0x90000049  }
0xc0: {  	s29 =	simm.s32 $0xA;
	_ =	strace $0x8000004B  }
0xc1: {  	_ =	swait.ge [sflag:s29], $0x1  }
0xc2: {  	[sflag:s29] =	ssyncadd.s32 $0xFFFFFFFF  }
0xc3: {  	_ =	strace $0x9000004B  }
0xc4: {  	_ =	sfence  }
0xc5: {  	s30 =	sld [smem:$0x0];
	_ =	sdelay $0x2  }
0xc6: {  	s31 =	sshll.u32 s1, $0xD;
	s1 =	sshrl.u32 s1, $0x2  }
0xc7: {  	s4 =	sand.u32 $0x4000, s31;
	s1 =	sadd.s32 s1, s30  }
0xc8: {  	s0 =	sor.u32 s4, s0;
	s1 =	sshll.u32 s1, $0x11  }
0xc9: {  	s0 =	sor.u32 s1, s0  }
0xca: {  	s0 =	sadd.s32 $0x8F2B, s0  }
0xcb: {  	[sflag:s0] =	ssyncadd.remote.s32 $0x1  }
0xcc: {  	_ =	sfence.sel $0xFFFF  }
0xcd: {  	[dreg:$0x0] =	wrdreg $0xFFFFFFFF;
	(pc) =	sbr.abs _section_cstart, $3  }
0xce: {  	[dreg:$0x1] =	wrdreg $0xFFFFFFFF  }
0xcf: {  	_ =	task.clear_ibuf [dreg:s22], $0x2FFFF;
	_ =	strace $0x9FFFFFFF  }
0xd0: {  	(tm) =	ssettm $0x7FFFFFFF  }
0xd1: {  	_ =	shalt  }
tec
execute0_lowered:
.L_overlay_start_1:
0x0: {  	(tag) =	ssettag $0x1  }
0x1: {  	s1 =	srdreg.scid;
	s0 =	stileid.u32  }
0x2: {  	s4 =	sand.u32 $0x1, s1;
	s3 =	sshll.u32 s0, $0x1  }
0x3: {  	s5 =	rddreg [dreg:$0x0];
	s2 =	simm.s32 $0x0;
	s3 =	sor.u32 s4, s3  }
0x4: {  	s9 =	simm.s32 $0x1;
	s6 =	ssub.s32 $0x2, s4;
	s3 =	smul.u32 $0xC80, s3  }
0x5: {  	s10 =	simm.s32 $0xC80;
	s11 =	simm.s32 $0x0;
	s8 =	sshrl.u32 s6, $0x1  }
0x6: {  	[smem:$0x7FF] =	sst s2;
	s8 =	ssub.s32 s6, s8;
	s7 =	sshrl.u32 s3, $0x3  }
0x7: {  	_ =	strace $0x8000004A;
	s31 =	smax.u32 s8, $0x1;
	s7 =	sadd.s32 s7, s5  }
0x8: {  	s4 =	sadd.s32 $0xBA00, s5;
	[dreg:$0x3] =	wrdreg s31;
	s30 =	sadd.s32 $0x2000, s7  }
0x9: {  	s8 =	simm.s32 $0x2;
	s5 =	sadd.s32 $0x10DDE00, s5;
	[dreg:$0x2] =	wrdreg s30  }
.LBB2_1:
0xa: {  	s0 =	rddreg [dreg:$0x2]  }
0xb: {  	[tilespmem:s2], [sflag:$0x2] =	stream.linear.gather [hbm4b:s0+s2], $0xC80, $0x38;
	[tilespmem:$0x19C80] =	vst v63  }
0xc: {  	_ =	swait.ge [sflag:s8], $0xC80  }
0xd: {  	[sflag:s8] =	ssyncset.done $0x0  }
0xe: {  	s12 =	simm.s32 $0x0;
	s13 =	simm.s32 $0x0;
	[sflag:s8] =	ssyncadd.s32 $0xFFFFF380  }
.LBB2_2:
0xf: {  	v0 =	vld [tilespmem:s12+$0x0];
	_ =	sdelay $0x4  }
0x10: {  	v0 =	vshll.u32 v0, $0x4  }
0x11: {  	(v2sf) =	vpush v0, $0x0  }
0x12: {  	(v2sf) =	vpush v0, $0x1  }
0x13: {  	(v2sf) =	vpush v0, $0x2;
	_ =	sdelay $0x1  }
0x14: {  	(v2sf) =	vpush v0, $0x4;
	_ =	sdelay $0x1  }
0x15: {  	(v2sf) =	vpush v0, $0x3  }
0x16: {  	s14 =	smul.u32 $0x320, s13;
	(v2sf) =	vpush v0, $0x5  }
0x17: {  	s16 =	simm.s32 $0x2000;
	s15 =	simm.s32 $0x0;
	s17 =	smov.u32 s12;
	(v2sf) =	vpush v0, $0x6  }
.LBB2_3:
0x18: {  	p0 =	sne.s32 s16, $0x62000  }
0x19: {  	s28 =	sadd.s32 $0xD00, s15;
	s21 =	sadd.s32 $0x1200, s15;
	s18 =	smov.u32 s16  }
0x1a: {  	s16 =	sadd.s32 $0x2000, s16;
	s24 =	sadd.s32 $0x1000, s15;
	s19 =	sadd.s32 $0x1280, s15;
	(v2sf) =	vpush v0, $0x7  }
0x1b: {  	s26 =	sadd.s32 $0xF00, s15;
	s23 =	sadd.s32 $0x1080, s15;
	s20 =	sadd.s32 $0x1300, s15  }
0x1c: {  	s29 =	sadd.s32 $0xC80, s15;
	s30 =	sadd.s32 $0xE80, s15;
	(v2sf) =	vpush v0, $0x8  }
0x1d: {  	s31 =	sadd.s32 $0xF80, s15;
	s17 =	sadd.s32 $0x10, s17  }
0x1e: {  	s1 =	sadd.s32 $0xD80, s15;
	s22 =	sadd.s32 $0x1180, s15;
	s25 =	spop (v2sf);
	(v2sf) =	vpush v0, $0x9  }
0x1f: {  	s0 =	sand.u32 $0x1FFFFFF0, s25;
	s25 =	sadd.s32 $0x1100, s15;
	s6 =	spop (v2sf)  }
0x20: {  	s0 =	sadd.s32 s4, s0;
	s6 =	sand.u32 $0x1FFFFFF0, s6;
	s7 =	spop (v2sf);
	(v2sf) =	vpush v0, $0xA  }
0x21: {  	[tilespmem:s29], [sflag:$0x1] =	stream.linear.gather [hbm4b:s0+s2], $0x80, $0x38;
	[tilespmem:$0x19C80] =	vst v63  }
0x22: {  	s0 =	sadd.s32 s4, s6;
	s6 =	sadd.s32 $0xE00, s15;
	s29 =	spop (v2sf);
	(v2sf) =	vpush v0, $0xB  }
0x23: {  	[tilespmem:s28], [sflag:$0x1] =	stream.linear.gather [hbm4b:s0+s2], $0x80, $0x38;
	[tilespmem:$0x19C80] =	vst v63  }
0x24: {  	s0 =	sand.u32 $0x1FFFFFF0, s7;
	s7 =	sand.u32 $0x1FFFFFF0, s29;
	s28 =	spop (v2sf);
	(v2sf) =	vpush v0, $0xC  }
0x25: {  	s0 =	sadd.s32 s4, s0;
	s28 =	sand.u32 $0x1FFFFFF0, s28;
	s29 =	spop (v2sf)  }
0x26: {  	[tilespmem:s1], [sflag:$0x1] =	stream.linear.gather [hbm4b:s0+s2], $0x80, $0x38;
	(v2sf) =	vpush v0, $0xD;
	[tilespmem:$0x19C80] =	vst v63  }
0x27: {  	s0 =	sadd.s32 s4, s28;
	s1 =	sand.u32 $0x1FFFFFF0, s29;
	s28 =	spop (v2sf)  }
0x28: {  	[tilespmem:s6], [sflag:$0x1] =	stream.linear.gather [hbm4b:s0+s2], $0x80, $0x38;
	(v2sf) =	vpush v0, $0xE;
	[tilespmem:$0x19C80] =	vst v63  }
0x29: {  	s0 =	sadd.s32 s4, s7;
	s6 =	sand.u32 $0x1FFFFFF0, s28;
	s7 =	spop (v2sf)  }
0x2a: {  	[tilespmem:s30], [sflag:$0x1] =	stream.linear.gather [hbm4b:s0+s2], $0x80, $0x38;
	(v2sf) =	vpush v0, $0xF;
	[tilespmem:$0x19C80] =	vst v63  }
0x2b: {  	s0 =	sadd.s32 s4, s1;
	s1 =	sand.u32 $0x1FFFFFF0, s7;
	s7 =	spop (v2sf)  }
0x2c: {  	[tilespmem:s26], [sflag:$0x1] =	stream.linear.gather [hbm4b:s0+s2], $0x80, $0x38;
	[tilespmem:$0x19C80] =	vst v63  }
0x2d: {  	s0 =	sadd.s32 s4, s6;
	s6 =	sand.u32 $0x1FFFFFF0, s7;
	s7 =	spop (v2sf)  }
0x2e: {  	[tilespmem:s31], [sflag:$0x1] =	stream.linear.gather [hbm4b:s0+s2], $0x80, $0x38;
	[tilespmem:$0x19C80] =	vst v63  }
0x2f: {  	s0 =	sadd.s32 s4, s1;
	s1 =	sand.u32 $0x1FFFFFF0, s7;
	s7 =	spop (v2sf)  }
0x30: {  	[tilespmem:s24], [sflag:$0x1] =	stream.linear.gather [hbm4b:s0+s2], $0x80, $0x38;
	[tilespmem:$0x19C80] =	vst v63  }
0x31: {  	s0 =	sadd.s32 s4, s6;
	s6 =	sand.u32 $0x1FFFFFF0, s7;
	s7 =	spop (v2sf)  }
0x32: {  	[tilespmem:s23], [sflag:$0x1] =	stream.linear.gather [hbm4b:s0+s2], $0x80, $0x38;
	[tilespmem:$0x19C80] =	vst v63  }
0x33: {  	s0 =	sadd.s32 s4, s1;
	s1 =	sand.u32 $0x1FFFFFF0, s7;
	s7 =	spop (v2sf)  }
0x34: {  	[tilespmem:s25], [sflag:$0x1] =	stream.linear.gather [hbm4b:s0+s2], $0x80, $0x38;
	[tilespmem:$0x19C80] =	vst v63  }
0x35: {  	s0 =	sadd.s32 s4, s6;
	s6 =	sand.u32 $0x1FFFFFF0, s7;
	s7 =	spop (v2sf)  }
0x36: {  	[tilespmem:s22], [sflag:$0x1] =	stream.linear.gather [hbm4b:s0+s2], $0x80, $0x38;
	[tilespmem:$0x19C80] =	vst v63  }
0x37: {  	s0 =	sadd.s32 s4, s1;
	s1 =	sand.u32 $0x1FFFFFF0, s7;
	s7 =	spop (v2sf)  }
0x38: {  	[tilespmem:s21], [sflag:$0x1] =	stream.linear.gather [hbm4b:s0+s2], $0x80, $0x38;
	[tilespmem:$0x19C80] =	vst v63  }
0x39: {  	s0 =	sadd.s32 s4, s6;
	s6 =	sand.u32 $0x1FFFFFF0, s7;
	s7 =	spop (v2sf)  }
0x3a: {  	[tilespmem:s19], [sflag:$0x1] =	stream.linear.gather [hbm4b:s0+s2], $0x80, $0x38;
	[tilespmem:$0x19C80] =	vst v63  }
0x3b: {  	s0 =	sadd.s32 s4, s1;
	s1 =	sand.u32 $0x1FFFFFF0, s7  }
0x3c: {  	[tilespmem:s20], [sflag:$0x1] =	stream.linear.gather [hbm4b:s0+s2], $0x80, $0x38;
	[tilespmem:$0x19C80] =	vst v63  }
0x3d: {  	s6 =	sadd.s32 s4, s6;
	s0 =	sadd.s32 $0x1380, s15  }
0x3e: {  	[tilespmem:s0], [sflag:$0x1] =	stream.linear.gather [hbm4b:s6+s2], $0x80, $0x38;
	[tilespmem:$0x19C80] =	vst v63  }
0x3f: {  	s1 =	sadd.s32 s4, s1;
	s0 =	sadd.s32 $0x1400, s15  }
0x40: {  	[tilespmem:s0], [sflag:$0x1] =	stream.linear.gather [hbm4b:s1+s2], $0x80, $0x38;
	[tilespmem:$0x19C80] =	vst v63  }
0x41: {  	v0 =	vld [tilespmem:s17+$0x0];
	_ =	sdelay $0x4  }
0x42: {  	v0 =	vshll.u32 v0, $0x4  }
0x43: {  	(v2sf) =	vpush v0, $0x0  }
0x44: {  	(v2sf) =	vpush v0, $0x1  }
0x45: {  	(v2sf) =	vpush v0, $0x2;
	_ =	sdelay $0x1  }
0x46: {  	(v2sf) =	vpush v0, $0x4  }
.Ltmp0:
0x47: {  	(pc) =	sbr.rel @p0 .LBB2_3-.Ltmp0, $3  }
0x48: {  	(v2sf) =	vpush v0, $0x3  }
0x49: {  	(v2sf) =	vpush v0, $0x5;
	_ =	sdelay $0x1  }
0x4a: {  	s15 =	sshra.s32 s18, $0x2;
	(v2sf) =	vpush v0, $0x6  }
0x4b: {  	_ =	sdelay $0x5  }
0x4c: {  	s0 =	spop (v2sf)  }
0x4d: {  	s1 =	spop (v2sf)  }
0x4e: {  	s17 =	spop (v2sf)  }
0x4f: {  	s20 =	spop (v2sf);
	(v2sf) =	vpush v0, $0x7  }
0x50: {  	s0 =	sand.u32 $0x1FFFFFF0, s0  }
0x51: {  	s6 =	sadd.s32 $0xC80, s15;
	s0 =	sadd.s32 s4, s0  }
0x52: {  	[tilespmem:s6], [sflag:$0x1] =	stream.linear.gather [hbm4b:s0+s2], $0x80, $0x38;
	[tilespmem:$0x19C80] =	vst v63  }
0x53: {  	s1 =	sand.u32 $0x1FFFFFF0, s1;
	s21 =	spop (v2sf);
	(v2sf) =	vpush v0, $0x8  }
0x54: {  	s16 =	sadd.s32 $0xD00, s15;
	s1 =	sadd.s32 s4, s1  }
0x55: {  	[tilespmem:s16], [sflag:$0x1] =	stream.linear.gather [hbm4b:s1+s2], $0x80, $0x38;
	[tilespmem:$0x19C80] =	vst v63  }
0x56: {  	s18 =	sand.u32 $0x1FFFFFF0, s17;
	s25 =	spop (v2sf);
	(v2sf) =	vpush v0, $0x9  }
0x57: {  	s19 =	sadd.s32 $0xD80, s15;
	s0 =	sadd.s32 s4, s18  }
0x58: {  	[tilespmem:s19], [sflag:$0x1] =	stream.linear.gather [hbm4b:s0+s2], $0x80, $0x38;
	[tilespmem:$0x19C80] =	vst v63  }
0x59: {  	s0 =	sand.u32 $0x1FFFFFF0, s21;
	s28 =	spop (v2sf);
	(v2sf) =	vpush v0, $0xA  }
0x5a: {  	s22 =	sadd.s32 $0xE00, s15;
	s23 =	sand.u32 $0x1FFFFFF0, s20;
	s0 =	sadd.s32 s4, s0  }
0x5b: {  	[tilespmem:s22], [sflag:$0x1] =	stream.linear.gather [hbm4b:s0+s2], $0x80, $0x38;
	[tilespmem:$0x19C80] =	vst v63  }
0x5c: {  	s24 =	sadd.s32 $0xE80, s15;
	s0 =	sadd.s32 s4, s23  }
0x5d: {  	[tilespmem:s24], [sflag:$0x1] =	stream.linear.gather [hbm4b:s0+s2], $0x80, $0x38;
	[tilespmem:$0x19C80] =	vst v63  }
0x5e: {  	s0 =	sand.u32 $0x1FFFFFF0, s25;
	s30 =	spop (v2sf);
	(v2sf) =	vpush v0, $0xB  }
0x5f: {  	s26 =	sadd.s32 $0xF00, s15;
	s0 =	sadd.s32 s4, s0  }
0x60: {  	[tilespmem:s26], [sflag:$0x1] =	stream.linear.gather [hbm4b:s0+s2], $0x80, $0x38;
	[tilespmem:$0x19C80] =	vst v63  }
0x61: {  	s0 =	sand.u32 $0x1FFFFFF0, s28  }
0x62: {  	s29 =	sadd.s32 $0xF80, s15;
	s0 =	sadd.s32 s4, s0;
	s6 =	spop (v2sf);
	(v2sf) =	vpush v0, $0xC  }
0x63: {  	[tilespmem:s29], [sflag:$0x1] =	stream.linear.gather [hbm4b:s0+s2], $0x80, $0x38;
	[tilespmem:$0x19C80] =	vst v63  }
0x64: {  	s0 =	sand.u32 $0x1FFFFFF0, s30  }
0x65: {  	s31 =	sadd.s32 $0x1000, s15;
	s0 =	sadd.s32 s4, s0;
	s16 =	spop (v2sf);
	(v2sf) =	vpush v0, $0xD  }
0x66: {  	[tilespmem:s31], [sflag:$0x1] =	stream.linear.gather [hbm4b:s0+s2], $0x80, $0x38;
	[tilespmem:$0x19C80] =	vst v63  }
0x67: {  	s0 =	sand.u32 $0x1FFFFFF0, s6  }
0x68: {  	s7 =	sadd.s32 $0x1080, s15;
	s0 =	sadd.s32 s4, s0;
	s18 =	spop (v2sf);
	(v2sf) =	vpush v0, $0xE  }
0x69: {  	[tilespmem:s7], [sflag:$0x1] =	stream.linear.gather [hbm4b:s0+s2], $0x80, $0x38;
	[tilespmem:$0x19C80] =	vst v63  }
0x6a: {  	s0 =	sand.u32 $0x1FFFFFF0, s16  }
0x6b: {  	s17 =	sadd.s32 $0x1100, s15;
	s0 =	sadd.s32 s4, s0  }
0x6c: {  	[tilespmem:s17], [sflag:$0x1] =	stream.linear.gather [hbm4b:s0+s2], $0x80, $0x38;
	[tilespmem:$0x19C80] =	vst v63  }
0x6d: {  	s0 =	sand.u32 $0x1FFFFFF0, s18;
	s20 =	spop (v2sf);
	(v2sf) =	vpush v0, $0xF  }
0x6e: {  	s19 =	sadd.s32 $0x1180, s15;
	s0 =	sadd.s32 s4, s0  }
0x6f: {  	[tilespmem:s19], [sflag:$0x1] =	stream.linear.gather [hbm4b:s0+s2], $0x80, $0x38;
	[tilespmem:$0x19C80] =	vst v63  }
0x70: {  	s0 =	sand.u32 $0x1FFFFFF0, s20  }
0x71: {  	s21 =	sadd.s32 $0x1200, s15;
	s0 =	sadd.s32 s4, s0;
	s22 =	spop (v2sf)  }
0x72: {  	[tilespmem:s21], [sflag:$0x1] =	stream.linear.gather [hbm4b:s0+s2], $0x80, $0x38;
	[tilespmem:$0x19C80] =	vst v63  }
0x73: {  	s0 =	sand.u32 $0x1FFFFFF0, s22  }
0x74: {  	s23 =	sadd.s32 $0x1280, s15;
	s24 =	spop (v2sf);
	s0 =	sadd.s32 s4, s0  }
0x75: {  	[tilespmem:s23], [sflag:$0x1] =	stream.linear.gather [hbm4b:s0+s2], $0x80, $0x38;
	[tilespmem:$0x19C80] =	vst v63  }
0x76: {  	s0 =	sand.u32 $0x1FFFFFF0, s24  }
0x77: {  	s25 =	sadd.s32 $0x1300, s15;
	s26 =	spop (v2sf);
	s0 =	sadd.s32 s4, s0  }
0x78: {  	[tilespmem:s25], [sflag:$0x1] =	stream.linear.gather [hbm4b:s0+s2], $0x80, $0x38;
	[tilespmem:$0x19C80] =	vst v63  }
0x79: {  	s0 =	sand.u32 $0x1FFFFFF0, s26  }
0x7a: {  	s28 =	sadd.s32 $0x1380, s15;
	s0 =	sadd.s32 s4, s0  }
0x7b: {  	[tilespmem:s28], [sflag:$0x1] =	stream.linear.gather [hbm4b:s0+s2], $0x80, $0x38;
	[tilespmem:$0x19C80] =	vst v63  }
0x7c: {  	s29 =	spop (v2sf)  }
0x7d: {  	s0 =	sand.u32 $0x1FFFFFF0, s29  }
0x7e: {  	s30 =	sadd.s32 $0x1400, s15;
	s0 =	sadd.s32 s4, s0  }
0x7f: {  	[tilespmem:s30], [sflag:$0x1] =	stream.linear.gather [hbm4b:s0+s2], $0x80, $0x38;
	[tilespmem:$0x19C80] =	vst v63  }
0x80: {  	s13 =	sadd.s32 $0x1, s13;
	s31 =	sadd.s32 s3, s14;
	_ =	swait.ge [sflag:s9], $0x19000  }
0x81: {  	p0 =	sne.s32 s13, $0x4;
	s0 =	sshll.u32 s31, $0x4;
	[sflag:s9] =	ssyncset.done $0x0  }
.Ltmp1:
0x82: {  	s0 =	sadd.s32 s5, s0;
	[sflag:s9] =	ssyncadd.s32 $0xFFFE7000;
	(pc) =	sbr.rel @p0 .LBB2_2-.Ltmp1, $4  }
0x83: {  	[hbm4b:s0+s2] =	stream.linear.scatter [tilespmem:s10], [sflag:$0x2], $0x19000, $0x38;
	[tilespmem:$0x19C80] =	vst v63  }
0x84: {  	_ =	swait.ge [sflag:s8], $0x19000  }
0x85: {  	[sflag:s8] =	ssyncset.done $0x0  }
0x86: {  	s12 =	sadd.s32 $0x320, s12;
	[sflag:s8] =	ssyncadd.s32 $0xFFFE7000  }
0x87: {  	s11 =	sadd.s32 $0x1, s11;
	s0 =	rddreg [dreg:$0x3]  }
0x88: {  	p0 =	sne.s32 s11, s0  }
.Ltmp2:
0x89: {  	_ = 	snop;
	(pc) =	sbr.rel @p0 .LBB2_1-.Ltmp2, $1  }
0x8a: {  	_ =	sdelay $0x3  }
0x8b: {  	_ =	sfence.sel $0x180000  }
0x8c: {  	[bflag:$0x0] =	sbarrier.arrive $0xFFFF  }
0x8d: {  	_ =	strace $0x9000004A  }
0x8e: {  	s0 =	stileid.u32;
	[bflag:$0x2] =	sbarrier.arrive $0xFFFF  }
0x8f: {  	p0 =	sne.s32 s0, $0x0;
	s0 =	rddreg [dreg:$0x1]  }
0x90: {  	s0 =	sadd.s32 @!p0 $0x100000, s0  }
0x91: {  	[sflag:s0] =	ssyncadd.tile.s32 @!p0 $0x1;
	_ =	shalt  }
.Lfunc_end2:
_tile_overlayer_lowered:
.L_overlay_start_2:
0x92: {  	(tag) =	ssettag $0x2  }
0x93: {  	s0 =	rddreg [dreg:$0x0];
	s2 =	stileid.u32  }
0x94: {  	s1 =	rddreg [dreg:$0x1];
	p0 =	sne.s32 s2, $0x0  }
0x95: {  	s3 =	rddreg [dreg:$0x2];
	[bflag:$0x3] =	sbarrier.arrive $0xFFFF;
	s2 =	simm.s32 @!p0 $0x1C02  }
0x96: {  	[timem:s3], [sflag:s2] =	dma.local @!p0 [hbm:s0], s1  }
0x97: {  	s0 =	simm.s32 @!p0 $0x2  }
0x98: {  	_ =	swait.ge @!p0 [sflag:s0], s1  }
0x99: {  	s1 =	ssub.s32 @!p0 $0x0, s1;
	[sflag:s0] =	ssyncset.done @!p0 $0x0  }
0x9a: {  	[sflag:s0] =	ssyncadd.s32 @!p0 s1  }
0x9b: {  	[bflag:$0x3] =	sbarrier.arrive $0xFFFF  }
0x9c: {  	_ =	shalt  }

</sc_bundles>
